<compile_context>
chip_gen: v7x
topology: tpu7x:2x2x1
jax: 0.10.2.dev20260603
libtpu: 0.0.44.dev20260713+nightly
codegen_flags: <defaults>
</compile_context>

<pallas_src>
import jax
import jax.numpy as jnp
from jax import lax
from jax.experimental import pallas as pl
from jax.experimental.pallas import tpu as pltpu
from jax.experimental.pallas import tpu_sc as plsc

_B, _N = 1024, 65536
_K = 32
_STRIDE = _N // _K
_LANES = 16
_K_SC = 16


def _sc_body(x_hbm, out_hbm, buf, out_v, sem):
    nc = plsc.get_sparse_core_info().num_cores
    wid = lax.axis_index("s") * nc + lax.axis_index("c")
    rows = _B // (nc * 16)
    r0 = wid * rows

    copies = [
        pltpu.make_async_copy(
            x_hbm.at[pl.ds(r0, rows), pl.ds(i * _STRIDE, 128)],
            buf.at[i],
            sem,
        )
        for i in range(_K_SC)
    ]
    for cp in copies:
        cp.start()
    for cp in copies:
        cp.wait()

    lane = lax.iota(jnp.int32, _LANES)
    zeros = jnp.zeros((_LANES,), jnp.int32)

    def extract(b, carry):
        out_v[b, :] = plsc.load_gather(
            buf, [lane, jnp.full((_LANES,), b, jnp.int32), zeros]
        )
        return carry

    lax.fori_loop(0, rows, extract, 0)

    pltpu.sync_copy(out_v, out_hbm.at[pl.ds(r0, rows), :])


def _sc_call(x):
    mesh = plsc.VectorSubcoreMesh(core_axis_name="c", subcore_axis_name="s")
    return pl.kernel(
        _sc_body,
        mesh=mesh,
        out_type=jax.ShapeDtypeStruct((_B, _K_SC), jnp.float32),
        scratch_types=[
            pltpu.VMEM((_K_SC, _B // 32, 128), jnp.float32),
            pltpu.VMEM((_B // 32, _K_SC), jnp.float32),
            pltpu.SemaphoreType.DMA,
        ],
        compiler_params=pltpu.CompilerParams(needs_layout_passes=False),
    )(x)


def _tc_body(*refs):
    o_ref = refs[-1]
    o_ref[...] = jnp.concatenate([r[:, 0:1] for r in refs[:-1]], axis=1)


def _tc_spec(i):
    return pl.BlockSpec((1024, 128), lambda _, i=i: (0, 16 * i))


def _tc_call(x):
    n = _K - _K_SC
    return pl.pallas_call(
        _tc_body,
        grid=(1,),
        in_specs=[_tc_spec(i) for i in range(_K_SC, _K)],
        out_specs=pl.BlockSpec((1024, n), lambda _: (0, 0)),
        out_shape=jax.ShapeDtypeStruct((_B, n), jnp.float32),
    )(*([x] * n))


def kernel(x):
    out_sc = _sc_call(x)
    out_tc = _tc_call(x)
    return jnp.concatenate([out_sc, out_tc], axis=1)

# --- scband reference (transcript-rebuilt; emitter-appended) ---
"""Pipeline reference for scband-bitstring-select-layer-8117488189507 (READ-ONLY COPY).

The authoritative reference and input builder live on the scoring server;
editing this copy changes nothing except your own understanding.
"""

import jax, jax.numpy as jnp
import numpy as np

BITSTRINGS = tuple(format(i, '05b') + '0' * 11 for i in range(32))
INDICES = np.array([int(bs, 2) for bs in BITSTRINGS], dtype=np.int64)


def setup_inputs(seed: int = 0) -> dict:
    key = jax.random.key(seed)
    x = jax.random.uniform(key, (1024, 65536), dtype=jnp.float32)
    return {"x": x}


def reference(x):
    # Faithful translation of BitstringSelectLayer.forward:
    # torch.index_select(x, dim=-1, index=indices) -> jnp.take along last axis
    idx = jnp.asarray(INDICES)
    return jnp.take(x, idx, axis=-1)

if __name__ == "__main__":
    import jax
    _d = setup_inputs()
    print(jax.jit(kernel)(*tuple(_d.values())))

</pallas_src>

<mosaic_0001>
#map = affine_map<(d0, d1) -> (0, 0)>
module attributes {stable_mosaic.version = 14 : i64} {
  func.func @_sc_body(%arg0: i32, %arg1: i32, %arg2: memref<1024x65536xf32, #tpu.memory_space<hbm>>, %arg3: memref<1024x16xf32, #tpu.memory_space<hbm>>, %arg4: memref<16x32x128xf32, #tpu.memory_space<vmem>>, %arg5: memref<32x16xf32, #tpu.memory_space<vmem>>, %arg6: memref<!tpu.dma_semaphore, #tpu.memory_space<semaphore_mem>>) attributes {dimension_semantics = [#tpu.dimension_semantics<core_parallel>, #tpu.dimension_semantics<subcore_parallel>], iteration_bounds = array<i64: 2, 16>, scalar_prefetch = 0 : i64, scratch_operands = 3 : i64, tpu.core_type = #tpu.core_type<sc_vector_subcore>, window_params = [{transform_indices = #map}, {transform_indices = #map}]} {
    %mul3A = arith.constant 2 : i32
    %mul3A_0 = arith.muli %arg1, %mul3A : i32
    %add3A = arith.addi %mul3A_0, %arg0 : i32
    %mul3A_1 = arith.constant 32 : i32
    %mul3A_2 = arith.muli %add3A, %mul3A_1 : i32
    %dma_start3A = arith.constant 0 : i32
    %dma_start3A_3 = arith.constant 0 : i32
    %dma_start3A_4 = arith.constant 0 : i32
    %dma_start3A_5 = tpu.memref_slice %arg4[%dma_start3A, %dma_start3A_3, %dma_start3A_4] : memref<16x32x128xf32, #tpu.memory_space<vmem>> -> memref<1x32x128xf32, #tpu.memory_space<vmem>>
    %dma_start3A_6 = tpu.memref_squeeze %dma_start3A_5 : memref<1x32x128xf32, #tpu.memory_space<vmem>> -> memref<32x128xf32, #tpu.memory_space<vmem>>
    %dma_start3A_7 = arith.constant 0 : i32
    %dma_start3A_8 = tpu.memref_slice %arg2[%mul3A_2, %dma_start3A_7] : memref<1024x65536xf32, #tpu.memory_space<hbm>> -> memref<32x128xf32, #tpu.memory_space<hbm>>
    %dma_start3A_9 = arith.constant 0 : i32
    %dma_start3A_10 = arith.constant 0 : i32
    %dma_start3A_11 = tpu.memref_slice %arg4[%dma_start3A, %dma_start3A_9, %dma_start3A_10] : memref<16x32x128xf32, #tpu.memory_space<vmem>> -> memref<1x32x128xf32, #tpu.memory_space<vmem>>
    %dma_start3A_12 = tpu.memref_squeeze %dma_start3A_11 : memref<1x32x128xf32, #tpu.memory_space<vmem>> -> memref<32x128xf32, #tpu.memory_space<vmem>>
    %dma_start3A_13 = arith.constant 0 : i32
    %dma_start3A_14 = tpu.memref_slice %arg2[%mul3A_2, %dma_start3A_13] : memref<1024x65536xf32, #tpu.memory_space<hbm>> -> memref<32x128xf32, #tpu.memory_space<hbm>>
    tpu.enqueue_dma source(%dma_start3A_14 : memref<32x128xf32, #tpu.memory_space<hbm>>) target(%dma_start3A_12 : memref<32x128xf32, #tpu.memory_space<vmem>>) target_semaphore(%arg6 : memref<!tpu.dma_semaphore, #tpu.memory_space<semaphore_mem>>)
    %dma_start3A_15 = arith.constant 1 : i32
    %dma_start3A_16 = arith.constant 0 : i32
    %dma_start3A_17 = arith.constant 0 : i32
    %dma_start3A_18 = tpu.memref_slice %arg4[%dma_start3A_15, %dma_start3A_16, %dma_start3A_17] : memref<16x32x128xf32, #tpu.memory_space<vmem>> -> memref<1x32x128xf32, #tpu.memory_space<vmem>>
    %dma_start3A_19 = tpu.memref_squeeze %dma_start3A_18 : memref<1x32x128xf32, #tpu.memory_space<vmem>> -> memref<32x128xf32, #tpu.memory_space<vmem>>
    %dma_start3A_20 = arith.constant 2048 : i32
    %dma_start3A_21 = tpu.memref_slice %arg2[%mul3A_2, %dma_start3A_20] : memref<1024x65536xf32, #tpu.memory_space<hbm>> -> memref<32x128xf32, #tpu.memory_space<hbm>>
    %dma_start3A_22 = arith.constant 0 : i32
    %dma_start3A_23 = arith.constant 0 : i32
    %dma_start3A_24 = tpu.memref_slice %arg4[%dma_start3A_15, %dma_start3A_22, %dma_start3A_23] : memref<16x32x128xf32, #tpu.memory_space<vmem>> -> memref<1x32x128xf32, #tpu.memory_space<vmem>>
    %dma_start3A_25 = tpu.memref_squeeze %dma_start3A_24 : memref<1x32x128xf32, #tpu.memory_space<vmem>> -> memref<32x128xf32, #tpu.memory_space<vmem>>
    %dma_start3A_26 = arith.constant 2048 : i32
    %dma_start3A_27 = tpu.memref_slice %arg2[%mul3A_2, %dma_start3A_26] : memref<1024x65536xf32, #tpu.memory_space<hbm>> -> memref<32x128xf32, #tpu.memory_space<hbm>>
    tpu.enqueue_dma source(%dma_start3A_27 : memref<32x128xf32, #tpu.memory_space<hbm>>) target(%dma_start3A_25 : memref<32x128xf32, #tpu.memory_space<vmem>>) target_semaphore(%arg6 : memref<!tpu.dma_semaphore, #tpu.memory_space<semaphore_mem>>)
    %dma_start3A_28 = arith.constant 2 : i32
    %dma_start3A_29 = arith.constant 0 : i32
    %dma_start3A_30 = arith.constant 0 : i32
    %dma_start3A_31 = tpu.memref_slice %arg4[%dma_start3A_28, %dma_start3A_29, %dma_start3A_30] : memref<16x32x128xf32, #tpu.memory_space<vmem>> -> memref<1x32x128xf32, #tpu.memory_space<vmem>>
    %dma_start3A_32 = tpu.memref_squeeze %dma_start3A_31 : memref<1x32x128xf32, #tpu.memory_space<vmem>> -> memref<32x128xf32, #tpu.memory_space<vmem>>
    %dma_start3A_33 = arith.constant 4096 : i32
    %dma_start3A_34 = tpu.memref_slice %arg2[%mul3A_2, %dma_start3A_33] : memref<1024x65536xf32, #tpu.memory_space<hbm>> -> memref<32x128xf32, #tpu.memory_space<hbm>>
    %dma_start3A_35 = arith.constant 0 : i32
    %dma_start3A_36 = arith.constant 0 : i32
    %dma_start3A_37 = tpu.memref_slice %arg4[%dma_start3A_28, %dma_start3A_35, %dma_start3A_36] : memref<16x32x128xf32, #tpu.memory_space<vmem>> -> memref<1x32x128xf32, #tpu.memory_space<vmem>>
    %dma_start3A_38 = tpu.memref_squeeze %dma_start3A_37 : memref<1x32x128xf32, #tpu.memory_space<vmem>> -> memref<32x128xf32, #tpu.memory_space<vmem>>
    %dma_start3A_39 = arith.constant 4096 : i32
    %dma_start3A_40 = tpu.memref_slice %arg2[%mul3A_2, %dma_start3A_39] : memref<1024x65536xf32, #tpu.memory_space<hbm>> -> memref<32x128xf32, #tpu.memory_space<hbm>>
    tpu.enqueue_dma source(%dma_start3A_40 : memref<32x128xf32, #tpu.memory_space<hbm>>) target(%dma_start3A_38 : memref<32x128xf32, #tpu.memory_space<vmem>>) target_semaphore(%arg6 : memref<!tpu.dma_semaphore, #tpu.memory_space<semaphore_mem>>)
    %dma_start3A_41 = arith.constant 3 : i32
    %dma_start3A_42 = arith.constant 0 : i32
    %dma_start3A_43 = arith.constant 0 : i32
    %dma_start3A_44 = tpu.memref_slice %arg4[%dma_start3A_41, %dma_start3A_42, %dma_start3A_43] : memref<16x32x128xf32, #tpu.memory_space<vmem>> -> memref<1x32x128xf32, #tpu.memory_space<vmem>>
    %dma_start3A_45 = tpu.memref_squeeze %dma_start3A_44 : memref<1x32x128xf32, #tpu.memory_space<vmem>> -> memref<32x128xf32, #tpu.memory_space<vmem>>
    %dma_start3A_46 = arith.constant 6144 : i32
    %dma_start3A_47 = tpu.memref_slice %arg2[%mul3A_2, %dma_start3A_46] : memref<1024x65536xf32, #tpu.memory_space<hbm>> -> memref<32x128xf32, #tpu.memory_space<hbm>>
    %dma_start3A_48 = arith.constant 0 : i32
    %dma_start3A_49 = arith.constant 0 : i32
    %dma_start3A_50 = tpu.memref_slice %arg4[%dma_start3A_41, %dma_start3A_48, %dma_start3A_49] : memref<16x32x128xf32, #tpu.memory_space<vmem>> -> memref<1x32x128xf32, #tpu.memory_space<vmem>>
    %dma_start3A_51 = tpu.memref_squeeze %dma_start3A_50 : memref<1x32x128xf32, #tpu.memory_space<vmem>> -> memref<32x128xf32, #tpu.memory_space<vmem>>
    %dma_start3A_52 = arith.constant 6144 : i32
    %dma_start3A_53 = tpu.memref_slice %arg2[%mul3A_2, %dma_start3A_52] : memref<1024x65536xf32, #tpu.memory_space<hbm>> -> memref<32x128xf32, #tpu.memory_space<hbm>>
    tpu.enqueue_dma source(%dma_start3A_53 : memref<32x128xf32, #tpu.memory_space<hbm>>) target(%dma_start3A_51 : memref<32x128xf32, #tpu.memory_space<vmem>>) target_semaphore(%arg6 : memref<!tpu.dma_semaphore, #tpu.memory_space<semaphore_mem>>)
    %dma_start3A_54 = arith.constant 4 : i32
    %dma_start3A_55 = arith.constant 0 : i32
    %dma_start3A_56 = arith.constant 0 : i32
    %dma_start3A_57 = tpu.memref_slice %arg4[%dma_start3A_54, %dma_start3A_55, %dma_start3A_56] : memref<16x32x128xf32, #tpu.memory_space<vmem>> -> memref<1x32x128xf32, #tpu.memory_space<vmem>>
    %dma_start3A_58 = tpu.memref_squeeze %dma_start3A_57 : memref<1x32x128xf32, #tpu.memory_space<vmem>> -> memref<32x128xf32, #tpu.memory_space<vmem>>
    %dma_start3A_59 = arith.constant 8192 : i32
    %dma_start3A_60 = tpu.memref_slice %arg2[%mul3A_2, %dma_start3A_59] : memref<1024x65536xf32, #tpu.memory_space<hbm>> -> memref<32x128xf32, #tpu.memory_space<hbm>>
    %dma_start3A_61 = arith.constant 0 : i32
    %dma_start3A_62 = arith.constant 0 : i32
    %dma_start3A_63 = tpu.memref_slice %arg4[%dma_start3A_54, %dma_start3A_61, %dma_start3A_62] : memref<16x32x128xf32, #tpu.memory_space<vmem>> -> memref<1x32x128xf32, #tpu.memory_space<vmem>>
    %dma_start3A_64 = tpu.memref_squeeze %dma_start3A_63 : memref<1x32x128xf32, #tpu.memory_space<vmem>> -> memref<32x128xf32, #tpu.memory_space<vmem>>
    %dma_start3A_65 = arith.constant 8192 : i32
    %dma_start3A_66 = tpu.memref_slice %arg2[%mul3A_2, %dma_start3A_65] : memref<1024x65536xf32, #tpu.memory_space<hbm>> -> memref<32x128xf32, #tpu.memory_space<hbm>>
    tpu.enqueue_dma source(%dma_start3A_66 : memref<32x128xf32, #tpu.memory_space<hbm>>) target(%dma_start3A_64 : memref<32x128xf32, #tpu.memory_space<vmem>>) target_semaphore(%arg6 : memref<!tpu.dma_semaphore, #tpu.memory_space<semaphore_mem>>)
    %dma_start3A_67 = arith.constant 5 : i32
    %dma_start3A_68 = arith.constant 0 : i32
    %dma_start3A_69 = arith.constant 0 : i32
    %dma_start3A_70 = tpu.memref_slice %arg4[%dma_start3A_67, %dma_start3A_68, %dma_start3A_69] : memref<16x32x128xf32, #tpu.memory_space<vmem>> -> memref<1x32x128xf32, #tpu.memory_space<vmem>>
    %dma_start3A_71 = tpu.memref_squeeze %dma_start3A_70 : memref<1x32x128xf32, #tpu.memory_space<vmem>> -> memref<32x128xf32, #tpu.memory_space<vmem>>
    %dma_start3A_72 = arith.constant 10240 : i32
    %dma_start3A_73 = tpu.memref_slice %arg2[%mul3A_2, %dma_start3A_72] : memref<1024x65536xf32, #tpu.memory_space<hbm>> -> memref<32x128xf32, #tpu.memory_space<hbm>>
    %dma_start3A_74 = arith.constant 0 : i32
    %dma_start3A_75 = arith.constant 0 : i32
    %dma_start3A_76 = tpu.memref_slice %arg4[%dma_start3A_67, %dma_start3A_74, %dma_start3A_75] : memref<16x32x128xf32, #tpu.memory_space<vmem>> -> memref<1x32x128xf32, #tpu.memory_space<vmem>>
    %dma_start3A_77 = tpu.memref_squeeze %dma_start3A_76 : memref<1x32x128xf32, #tpu.memory_space<vmem>> -> memref<32x128xf32, #tpu.memory_space<vmem>>
    %dma_start3A_78 = arith.constant 10240 : i32
    %dma_start3A_79 = tpu.memref_slice %arg2[%mul3A_2, %dma_start3A_78] : memref<1024x65536xf32, #tpu.memory_space<hbm>> -> memref<32x128xf32, #tpu.memory_space<hbm>>
    tpu.enqueue_dma source(%dma_start3A_79 : memref<32x128xf32, #tpu.memory_space<hbm>>) target(%dma_start3A_77 : memref<32x128xf32, #tpu.memory_space<vmem>>) target_semaphore(%arg6 : memref<!tpu.dma_semaphore, #tpu.memory_space<semaphore_mem>>)
    %dma_start3A_80 = arith.constant 6 : i32
    %dma_start3A_81 = arith.constant 0 : i32
    %dma_start3A_82 = arith.constant 0 : i32
    %dma_start3A_83 = tpu.memref_slice %arg4[%dma_start3A_80, %dma_start3A_81, %dma_start3A_82] : memref<16x32x128xf32, #tpu.memory_space<vmem>> -> memref<1x32x128xf32, #tpu.memory_space<vmem>>
    %dma_start3A_84 = tpu.memref_squeeze %dma_start3A_83 : memref<1x32x128xf32, #tpu.memory_space<vmem>> -> memref<32x128xf32, #tpu.memory_space<vmem>>
    %dma_start3A_85 = arith.constant 12288 : i32
    %dma_start3A_86 = tpu.memref_slice %arg2[%mul3A_2, %dma_start3A_85] : memref<1024x65536xf32, #tpu.memory_space<hbm>> -> memref<32x128xf32, #tpu.memory_space<hbm>>
    %dma_start3A_87 = arith.constant 0 : i32
    %dma_start3A_88 = arith.constant 0 : i32
    %dma_start3A_89 = tpu.memref_slice %arg4[%dma_start3A_80, %dma_start3A_87, %dma_start3A_88] : memref<16x32x128xf32, #tpu.memory_space<vmem>> -> memref<1x32x128xf32, #tpu.memory_space<vmem>>
    %dma_start3A_90 = tpu.memref_squeeze %dma_start3A_89 : memref<1x32x128xf32, #tpu.memory_space<vmem>> -> memref<32x128xf32, #tpu.memory_space<vmem>>
    %dma_start3A_91 = arith.constant 12288 : i32
    %dma_start3A_92 = tpu.memref_slice %arg2[%mul3A_2, %dma_start3A_91] : memref<1024x65536xf32, #tpu.memory_space<hbm>> -> memref<32x128xf32, #tpu.memory_space<hbm>>
    tpu.enqueue_dma source(%dma_start3A_92 : memref<32x128xf32, #tpu.memory_space<hbm>>) target(%dma_start3A_90 : memref<32x128xf32, #tpu.memory_space<vmem>>) target_semaphore(%arg6 : memref<!tpu.dma_semaphore, #tpu.memory_space<semaphore_mem>>)
    %dma_start3A_93 = arith.constant 7 : i32
    %dma_start3A_94 = arith.constant 0 : i32
    %dma_start3A_95 = arith.constant 0 : i32
    %dma_start3A_96 = tpu.memref_slice %arg4[%dma_start3A_93, %dma_start3A_94, %dma_start3A_95] : memref<16x32x128xf32, #tpu.memory_space<vmem>> -> memref<1x32x128xf32, #tpu.memory_space<vmem>>
    %dma_start3A_97 = tpu.memref_squeeze %dma_start3A_96 : memref<1x32x128xf32, #tpu.memory_space<vmem>> -> memref<32x128xf32, #tpu.memory_space<vmem>>
    %dma_start3A_98 = arith.constant 14336 : i32
    %dma_start3A_99 = tpu.memref_slice %arg2[%mul3A_2, %dma_start3A_98] : memref<1024x65536xf32, #tpu.memory_space<hbm>> -> memref<32x128xf32, #tpu.memory_space<hbm>>
    %dma_start3A_100 = arith.constant 0 : i32
    %dma_start3A_101 = arith.constant 0 : i32
    %dma_start3A_102 = tpu.memref_slice %arg4[%dma_start3A_93, %dma_start3A_100, %dma_start3A_101] : memref<16x32x128xf32, #tpu.memory_space<vmem>> -> memref<1x32x128xf32, #tpu.memory_space<vmem>>
    %dma_start3A_103 = tpu.memref_squeeze %dma_start3A_102 : memref<1x32x128xf32, #tpu.memory_space<vmem>> -> memref<32x128xf32, #tpu.memory_space<vmem>>
    %dma_start3A_104 = arith.constant 14336 : i32
    %dma_start3A_105 = tpu.memref_slice %arg2[%mul3A_2, %dma_start3A_104] : memref<1024x65536xf32, #tpu.memory_space<hbm>> -> memref<32x128xf32, #tpu.memory_space<hbm>>
    tpu.enqueue_dma source(%dma_start3A_105 : memref<32x128xf32, #tpu.memory_space<hbm>>) target(%dma_start3A_103 : memref<32x128xf32, #tpu.memory_space<vmem>>) target_semaphore(%arg6 : memref<!tpu.dma_semaphore, #tpu.memory_space<semaphore_mem>>)
    %dma_start3A_106 = arith.constant 8 : i32
    %dma_start3A_107 = arith.constant 0 : i32
    %dma_start3A_108 = arith.constant 0 : i32
    %dma_start3A_109 = tpu.memref_slice %arg4[%dma_start3A_106, %dma_start3A_107, %dma_start3A_108] : memref<16x32x128xf32, #tpu.memory_space<vmem>> -> memref<1x32x128xf32, #tpu.memory_space<vmem>>
    %dma_start3A_110 = tpu.memref_squeeze %dma_start3A_109 : memref<1x32x128xf32, #tpu.memory_space<vmem>> -> memref<32x128xf32, #tpu.memory_space<vmem>>
    %dma_start3A_111 = arith.constant 16384 : i32
    %dma_start3A_112 = tpu.memref_slice %arg2[%mul3A_2, %dma_start3A_111] : memref<1024x65536xf32, #tpu.memory_space<hbm>> -> memref<32x128xf32, #tpu.memory_space<hbm>>
    %dma_start3A_113 = arith.constant 0 : i32
    %dma_start3A_114 = arith.constant 0 : i32
    %dma_start3A_115 = tpu.memref_slice %arg4[%dma_start3A_106, %dma_start3A_113, %dma_start3A_114] : memref<16x32x128xf32, #tpu.memory_space<vmem>> -> memref<1x32x128xf32, #tpu.memory_space<vmem>>
    %dma_start3A_116 = tpu.memref_squeeze %dma_start3A_115 : memref<1x32x128xf32, #tpu.memory_space<vmem>> -> memref<32x128xf32, #tpu.memory_space<vmem>>
    %dma_start3A_117 = arith.constant 16384 : i32
    %dma_start3A_118 = tpu.memref_slice %arg2[%mul3A_2, %dma_start3A_117] : memref<1024x65536xf32, #tpu.memory_space<hbm>> -> memref<32x128xf32, #tpu.memory_space<hbm>>
    tpu.enqueue_dma source(%dma_start3A_118 : memref<32x128xf32, #tpu.memory_space<hbm>>) target(%dma_start3A_116 : memref<32x128xf32, #tpu.memory_space<vmem>>) target_semaphore(%arg6 : memref<!tpu.dma_semaphore, #tpu.memory_space<semaphore_mem>>)
    %dma_start3A_119 = arith.constant 9 : i32
    %dma_start3A_120 = arith.constant 0 : i32
    %dma_start3A_121 = arith.constant 0 : i32
    %dma_start3A_122 = tpu.memref_slice %arg4[%dma_start3A_119, %dma_start3A_120, %dma_start3A_121] : memref<16x32x128xf32, #tpu.memory_space<vmem>> -> memref<1x32x128xf32, #tpu.memory_space<vmem>>
    %dma_start3A_123 = tpu.memref_squeeze %dma_start3A_122 : memref<1x32x128xf32, #tpu.memory_space<vmem>> -> memref<32x128xf32, #tpu.memory_space<vmem>>
    %dma_start3A_124 = arith.constant 18432 : i32
    %dma_start3A_125 = tpu.memref_slice %arg2[%mul3A_2, %dma_start3A_124] : memref<1024x65536xf32, #tpu.memory_space<hbm>> -> memref<32x128xf32, #tpu.memory_space<hbm>>
    %dma_start3A_126 = arith.constant 0 : i32
    %dma_start3A_127 = arith.constant 0 : i32
    %dma_start3A_128 = tpu.memref_slice %arg4[%dma_start3A_119, %dma_start3A_126, %dma_start3A_127] : memref<16x32x128xf32, #tpu.memory_space<vmem>> -> memref<1x32x128xf32, #tpu.memory_space<vmem>>
    %dma_start3A_129 = tpu.memref_squeeze %dma_start3A_128 : memref<1x32x128xf32, #tpu.memory_space<vmem>> -> memref<32x128xf32, #tpu.memory_space<vmem>>
    %dma_start3A_130 = arith.constant 18432 : i32
    %dma_start3A_131 = tpu.memref_slice %arg2[%mul3A_2, %dma_start3A_130] : memref<1024x65536xf32, #tpu.memory_space<hbm>> -> memref<32x128xf32, #tpu.memory_space<hbm>>
    tpu.enqueue_dma source(%dma_start3A_131 : memref<32x128xf32, #tpu.memory_space<hbm>>) target(%dma_start3A_129 : memref<32x128xf32, #tpu.memory_space<vmem>>) target_semaphore(%arg6 : memref<!tpu.dma_semaphore, #tpu.memory_space<semaphore_mem>>)
    %dma_start3A_132 = arith.constant 10 : i32
    %dma_start3A_133 = arith.constant 0 : i32
    %dma_start3A_134 = arith.constant 0 : i32
    %dma_start3A_135 = tpu.memref_slice %arg4[%dma_start3A_132, %dma_start3A_133, %dma_start3A_134] : memref<16x32x128xf32, #tpu.memory_space<vmem>> -> memref<1x32x128xf32, #tpu.memory_space<vmem>>
    %dma_start3A_136 = tpu.memref_squeeze %dma_start3A_135 : memref<1x32x128xf32, #tpu.memory_space<vmem>> -> memref<32x128xf32, #tpu.memory_space<vmem>>
    %dma_start3A_137 = arith.constant 20480 : i32
    %dma_start3A_138 = tpu.memref_slice %arg2[%mul3A_2, %dma_start3A_137] : memref<1024x65536xf32, #tpu.memory_space<hbm>> -> memref<32x128xf32, #tpu.memory_space<hbm>>
    %dma_start3A_139 = arith.constant 0 : i32
    %dma_start3A_140 = arith.constant 0 : i32
    %dma_start3A_141 = tpu.memref_slice %arg4[%dma_start3A_132, %dma_start3A_139, %dma_start3A_140] : memref<16x32x128xf32, #tpu.memory_space<vmem>> -> memref<1x32x128xf32, #tpu.memory_space<vmem>>
    %dma_start3A_142 = tpu.memref_squeeze %dma_start3A_141 : memref<1x32x128xf32, #tpu.memory_space<vmem>> -> memref<32x128xf32, #tpu.memory_space<vmem>>
    %dma_start3A_143 = arith.constant 20480 : i32
    %dma_start3A_144 = tpu.memref_slice %arg2[%mul3A_2, %dma_start3A_143] : memref<1024x65536xf32, #tpu.memory_space<hbm>> -> memref<32x128xf32, #tpu.memory_space<hbm>>
    tpu.enqueue_dma source(%dma_start3A_144 : memref<32x128xf32, #tpu.memory_space<hbm>>) target(%dma_start3A_142 : memref<32x128xf32, #tpu.memory_space<vmem>>) target_semaphore(%arg6 : memref<!tpu.dma_semaphore, #tpu.memory_space<semaphore_mem>>)
    %dma_start3A_145 = arith.constant 11 : i32
    %dma_start3A_146 = arith.constant 0 : i32
    %dma_start3A_147 = arith.constant 0 : i32
    %dma_start3A_148 = tpu.memref_slice %arg4[%dma_start3A_145, %dma_start3A_146, %dma_start3A_147] : memref<16x32x128xf32, #tpu.memory_space<vmem>> -> memref<1x32x128xf32, #tpu.memory_space<vmem>>
    %dma_start3A_149 = tpu.memref_squeeze %dma_start3A_148 : memref<1x32x128xf32, #tpu.memory_space<vmem>> -> memref<32x128xf32, #tpu.memory_space<vmem>>
    %dma_start3A_150 = arith.constant 22528 : i32
    %dma_start3A_151 = tpu.memref_slice %arg2[%mul3A_2, %dma_start3A_150] : memref<1024x65536xf32, #tpu.memory_space<hbm>> -> memref<32x128xf32, #tpu.memory_space<hbm>>
    %dma_start3A_152 = arith.constant 0 : i32
    %dma_start3A_153 = arith.constant 0 : i32
    %dma_start3A_154 = tpu.memref_slice %arg4[%dma_start3A_145, %dma_start3A_152, %dma_start3A_153] : memref<16x32x128xf32, #tpu.memory_space<vmem>> -> memref<1x32x128xf32, #tpu.memory_space<vmem>>
    %dma_start3A_155 = tpu.memref_squeeze %dma_start3A_154 : memref<1x32x128xf32, #tpu.memory_space<vmem>> -> memref<32x128xf32, #tpu.memory_space<vmem>>
    %dma_start3A_156 = arith.constant 22528 : i32
    %dma_start3A_157 = tpu.memref_slice %arg2[%mul3A_2, %dma_start3A_156] : memref<1024x65536xf32, #tpu.memory_space<hbm>> -> memref<32x128xf32, #tpu.memory_space<hbm>>
    tpu.enqueue_dma source(%dma_start3A_157 : memref<32x128xf32, #tpu.memory_space<hbm>>) target(%dma_start3A_155 : memref<32x128xf32, #tpu.memory_space<vmem>>) target_semaphore(%arg6 : memref<!tpu.dma_semaphore, #tpu.memory_space<semaphore_mem>>)
    %dma_start3A_158 = arith.constant 12 : i32
    %dma_start3A_159 = arith.constant 0 : i32
    %dma_start3A_160 = arith.constant 0 : i32
    %dma_start3A_161 = tpu.memref_slice %arg4[%dma_start3A_158, %dma_start3A_159, %dma_start3A_160] : memref<16x32x128xf32, #tpu.memory_space<vmem>> -> memref<1x32x128xf32, #tpu.memory_space<vmem>>
    %dma_start3A_162 = tpu.memref_squeeze %dma_start3A_161 : memref<1x32x128xf32, #tpu.memory_space<vmem>> -> memref<32x128xf32, #tpu.memory_space<vmem>>
    %dma_start3A_163 = arith.constant 24576 : i32
    %dma_start3A_164 = tpu.memref_slice %arg2[%mul3A_2, %dma_start3A_163] : memref<1024x65536xf32, #tpu.memory_space<hbm>> -> memref<32x128xf32, #tpu.memory_space<hbm>>
    %dma_start3A_165 = arith.constant 0 : i32
    %dma_start3A_166 = arith.constant 0 : i32
    %dma_start3A_167 = tpu.memref_slice %arg4[%dma_start3A_158, %dma_start3A_165, %dma_start3A_166] : memref<16x32x128xf32, #tpu.memory_space<vmem>> -> memref<1x32x128xf32, #tpu.memory_space<vmem>>
    %dma_start3A_168 = tpu.memref_squeeze %dma_start3A_167 : memref<1x32x128xf32, #tpu.memory_space<vmem>> -> memref<32x128xf32, #tpu.memory_space<vmem>>
    %dma_start3A_169 = arith.constant 24576 : i32
    %dma_start3A_170 = tpu.memref_slice %arg2[%mul3A_2, %dma_start3A_169] : memref<1024x65536xf32, #tpu.memory_space<hbm>> -> memref<32x128xf32, #tpu.memory_space<hbm>>
    tpu.enqueue_dma source(%dma_start3A_170 : memref<32x128xf32, #tpu.memory_space<hbm>>) target(%dma_start3A_168 : memref<32x128xf32, #tpu.memory_space<vmem>>) target_semaphore(%arg6 : memref<!tpu.dma_semaphore, #tpu.memory_space<semaphore_mem>>)
    %dma_start3A_171 = arith.constant 13 : i32
    %dma_start3A_172 = arith.constant 0 : i32
    %dma_start3A_173 = arith.constant 0 : i32
    %dma_start3A_174 = tpu.memref_slice %arg4[%dma_start3A_171, %dma_start3A_172, %dma_start3A_173] : memref<16x32x128xf32, #tpu.memory_space<vmem>> -> memref<1x32x128xf32, #tpu.memory_space<vmem>>
    %dma_start3A_175 = tpu.memref_squeeze %dma_start3A_174 : memref<1x32x128xf32, #tpu.memory_space<vmem>> -> memref<32x128xf32, #tpu.memory_space<vmem>>
    %dma_start3A_176 = arith.constant 26624 : i32
    %dma_start3A_177 = tpu.memref_slice %arg2[%mul3A_2, %dma_start3A_176] : memref<1024x65536xf32, #tpu.memory_space<hbm>> -> memref<32x128xf32, #tpu.memory_space<hbm>>
    %dma_start3A_178 = arith.constant 0 : i32
    %dma_start3A_179 = arith.constant 0 : i32
    %dma_start3A_180 = tpu.memref_slice %arg4[%dma_start3A_171, %dma_start3A_178, %dma_start3A_179] : memref<16x32x128xf32, #tpu.memory_space<vmem>> -> memref<1x32x128xf32, #tpu.memory_space<vmem>>
    %dma_start3A_181 = tpu.memref_squeeze %dma_start3A_180 : memref<1x32x128xf32, #tpu.memory_space<vmem>> -> memref<32x128xf32, #tpu.memory_space<vmem>>
    %dma_start3A_182 = arith.constant 26624 : i32
    %dma_start3A_183 = tpu.memref_slice %arg2[%mul3A_2, %dma_start3A_182] : memref<1024x65536xf32, #tpu.memory_space<hbm>> -> memref<32x128xf32, #tpu.memory_space<hbm>>
    tpu.enqueue_dma source(%dma_start3A_183 : memref<32x128xf32, #tpu.memory_space<hbm>>) target(%dma_start3A_181 : memref<32x128xf32, #tpu.memory_space<vmem>>) target_semaphore(%arg6 : memref<!tpu.dma_semaphore, #tpu.memory_space<semaphore_mem>>)
    %dma_start3A_184 = arith.constant 14 : i32
    %dma_start3A_185 = arith.constant 0 : i32
    %dma_start3A_186 = arith.constant 0 : i32
    %dma_start3A_187 = tpu.memref_slice %arg4[%dma_start3A_184, %dma_start3A_185, %dma_start3A_186] : memref<16x32x128xf32, #tpu.memory_space<vmem>> -> memref<1x32x128xf32, #tpu.memory_space<vmem>>
    %dma_start3A_188 = tpu.memref_squeeze %dma_start3A_187 : memref<1x32x128xf32, #tpu.memory_space<vmem>> -> memref<32x128xf32, #tpu.memory_space<vmem>>
    %dma_start3A_189 = arith.constant 28672 : i32
    %dma_start3A_190 = tpu.memref_slice %arg2[%mul3A_2, %dma_start3A_189] : memref<1024x65536xf32, #tpu.memory_space<hbm>> -> memref<32x128xf32, #tpu.memory_space<hbm>>
    %dma_start3A_191 = arith.constant 0 : i32
    %dma_start3A_192 = arith.constant 0 : i32
    %dma_start3A_193 = tpu.memref_slice %arg4[%dma_start3A_184, %dma_start3A_191, %dma_start3A_192] : memref<16x32x128xf32, #tpu.memory_space<vmem>> -> memref<1x32x128xf32, #tpu.memory_space<vmem>>
    %dma_start3A_194 = tpu.memref_squeeze %dma_start3A_193 : memref<1x32x128xf32, #tpu.memory_space<vmem>> -> memref<32x128xf32, #tpu.memory_space<vmem>>
    %dma_start3A_195 = arith.constant 28672 : i32
    %dma_start3A_196 = tpu.memref_slice %arg2[%mul3A_2, %dma_start3A_195] : memref<1024x65536xf32, #tpu.memory_space<hbm>> -> memref<32x128xf32, #tpu.memory_space<hbm>>
    tpu.enqueue_dma source(%dma_start3A_196 : memref<32x128xf32, #tpu.memory_space<hbm>>) target(%dma_start3A_194 : memref<32x128xf32, #tpu.memory_space<vmem>>) target_semaphore(%arg6 : memref<!tpu.dma_semaphore, #tpu.memory_space<semaphore_mem>>)
    %dma_start3A_197 = arith.constant 15 : i32
    %dma_start3A_198 = arith.constant 0 : i32
    %dma_start3A_199 = arith.constant 0 : i32
    %dma_start3A_200 = tpu.memref_slice %arg4[%dma_start3A_197, %dma_start3A_198, %dma_start3A_199] : memref<16x32x128xf32, #tpu.memory_space<vmem>> -> memref<1x32x128xf32, #tpu.memory_space<vmem>>
    %dma_start3A_201 = tpu.memref_squeeze %dma_start3A_200 : memref<1x32x128xf32, #tpu.memory_space<vmem>> -> memref<32x128xf32, #tpu.memory_space<vmem>>
    %dma_start3A_202 = arith.constant 30720 : i32
    %dma_start3A_203 = tpu.memref_slice %arg2[%mul3A_2, %dma_start3A_202] : memref<1024x65536xf32, #tpu.memory_space<hbm>> -> memref<32x128xf32, #tpu.memory_space<hbm>>
    %dma_start3A_204 = arith.constant 0 : i32
    %dma_start3A_205 = arith.constant 0 : i32
    %dma_start3A_206 = tpu.memref_slice %arg4[%dma_start3A_197, %dma_start3A_204, %dma_start3A_205] : memref<16x32x128xf32, #tpu.memory_space<vmem>> -> memref<1x32x128xf32, #tpu.memory_space<vmem>>
    %dma_start3A_207 = tpu.memref_squeeze %dma_start3A_206 : memref<1x32x128xf32, #tpu.memory_space<vmem>> -> memref<32x128xf32, #tpu.memory_space<vmem>>
    %dma_start3A_208 = arith.constant 30720 : i32
    %dma_start3A_209 = tpu.memref_slice %arg2[%mul3A_2, %dma_start3A_208] : memref<1024x65536xf32, #tpu.memory_space<hbm>> -> memref<32x128xf32, #tpu.memory_space<hbm>>
    tpu.enqueue_dma source(%dma_start3A_209 : memref<32x128xf32, #tpu.memory_space<hbm>>) target(%dma_start3A_207 : memref<32x128xf32, #tpu.memory_space<vmem>>) target_semaphore(%arg6 : memref<!tpu.dma_semaphore, #tpu.memory_space<semaphore_mem>>)
    %dma_wait3A = arith.constant 0 : i32
    %dma_wait3A_210 = arith.constant 0 : i32
    %dma_wait3A_211 = arith.constant 0 : i32
    %dma_wait3A_212 = tpu.memref_slice %arg4[%dma_wait3A, %dma_wait3A_210, %dma_wait3A_211] : memref<16x32x128xf32, #tpu.memory_space<vmem>> -> memref<1x32x128xf32, #tpu.memory_space<vmem>>
    %dma_wait3A_213 = tpu.memref_squeeze %dma_wait3A_212 : memref<1x32x128xf32, #tpu.memory_space<vmem>> -> memref<32x128xf32, #tpu.memory_space<vmem>>
    %dma_wait3A_214 = arith.constant 0 : i32
    %dma_wait3A_215 = tpu.memref_slice %arg2[%mul3A_2, %dma_wait3A_214] : memref<1024x65536xf32, #tpu.memory_space<hbm>> -> memref<32x128xf32, #tpu.memory_space<hbm>>
    %dma_wait3A_216 = arith.constant 0 : i32
    %dma_wait3A_217 = arith.constant 0 : i32
    %dma_wait3A_218 = tpu.memref_slice %arg4[%dma_wait3A, %dma_wait3A_216, %dma_wait3A_217] : memref<16x32x128xf32, #tpu.memory_space<vmem>> -> memref<1x32x128xf32, #tpu.memory_space<vmem>>
    %dma_wait3A_219 = tpu.memref_squeeze %dma_wait3A_218 : memref<1x32x128xf32, #tpu.memory_space<vmem>> -> memref<32x128xf32, #tpu.memory_space<vmem>>
    %dma_wait3A_220 = arith.constant 0 : i32
    %dma_wait3A_221 = tpu.memref_slice %arg2[%mul3A_2, %dma_wait3A_220] : memref<1024x65536xf32, #tpu.memory_space<hbm>> -> memref<32x128xf32, #tpu.memory_space<hbm>>
    tpu.wait_dma2 semaphore(%arg6 : memref<!tpu.dma_semaphore, #tpu.memory_space<semaphore_mem>>) src(%dma_wait3A_221 : memref<32x128xf32, #tpu.memory_space<hbm>>) dst(%dma_wait3A_219 : memref<32x128xf32, #tpu.memory_space<vmem>>)
    %dma_wait3A_222 = arith.constant 1 : i32
    %dma_wait3A_223 = arith.constant 0 : i32
    %dma_wait3A_224 = arith.constant 0 : i32
    %dma_wait3A_225 = tpu.memref_slice %arg4[%dma_wait3A_222, %dma_wait3A_223, %dma_wait3A_224] : memref<16x32x128xf32, #tpu.memory_space<vmem>> -> memref<1x32x128xf32, #tpu.memory_space<vmem>>
    %dma_wait3A_226 = tpu.memref_squeeze %dma_wait3A_225 : memref<1x32x128xf32, #tpu.memory_space<vmem>> -> memref<32x128xf32, #tpu.memory_space<vmem>>
    %dma_wait3A_227 = arith.constant 2048 : i32
    %dma_wait3A_228 = tpu.memref_slice %arg2[%mul3A_2, %dma_wait3A_227] : memref<1024x65536xf32, #tpu.memory_space<hbm>> -> memref<32x128xf32, #tpu.memory_space<hbm>>
    %dma_wait3A_229 = arith.constant 0 : i32
    %dma_wait3A_230 = arith.constant 0 : i32
    %dma_wait3A_231 = tpu.memref_slice %arg4[%dma_wait3A_222, %dma_wait3A_229, %dma_wait3A_230] : memref<16x32x128xf32, #tpu.memory_space<vmem>> -> memref<1x32x128xf32, #tpu.memory_space<vmem>>
    %dma_wait3A_232 = tpu.memref_squeeze %dma_wait3A_231 : memref<1x32x128xf32, #tpu.memory_space<vmem>> -> memref<32x128xf32, #tpu.memory_space<vmem>>
    %dma_wait3A_233 = arith.constant 2048 : i32
    %dma_wait3A_234 = tpu.memref_slice %arg2[%mul3A_2, %dma_wait3A_233] : memref<1024x65536xf32, #tpu.memory_space<hbm>> -> memref<32x128xf32, #tpu.memory_space<hbm>>
    tpu.wait_dma2 semaphore(%arg6 : memref<!tpu.dma_semaphore, #tpu.memory_space<semaphore_mem>>) src(%dma_wait3A_234 : memref<32x128xf32, #tpu.memory_space<hbm>>) dst(%dma_wait3A_232 : memref<32x128xf32, #tpu.memory_space<vmem>>)
    %dma_wait3A_235 = arith.constant 2 : i32
    %dma_wait3A_236 = arith.constant 0 : i32
    %dma_wait3A_237 = arith.constant 0 : i32
    %dma_wait3A_238 = tpu.memref_slice %arg4[%dma_wait3A_235, %dma_wait3A_236, %dma_wait3A_237] : memref<16x32x128xf32, #tpu.memory_space<vmem>> -> memref<1x32x128xf32, #tpu.memory_space<vmem>>
    %dma_wait3A_239 = tpu.memref_squeeze %dma_wait3A_238 : memref<1x32x128xf32, #tpu.memory_space<vmem>> -> memref<32x128xf32, #tpu.memory_space<vmem>>
    %dma_wait3A_240 = arith.constant 4096 : i32
    %dma_wait3A_241 = tpu.memref_slice %arg2[%mul3A_2, %dma_wait3A_240] : memref<1024x65536xf32, #tpu.memory_space<hbm>> -> memref<32x128xf32, #tpu.memory_space<hbm>>
    %dma_wait3A_242 = arith.constant 0 : i32
    %dma_wait3A_243 = arith.constant 0 : i32
    %dma_wait3A_244 = tpu.memref_slice %arg4[%dma_wait3A_235, %dma_wait3A_242, %dma_wait3A_243] : memref<16x32x128xf32, #tpu.memory_space<vmem>> -> memref<1x32x128xf32, #tpu.memory_space<vmem>>
    %dma_wait3A_245 = tpu.memref_squeeze %dma_wait3A_244 : memref<1x32x128xf32, #tpu.memory_space<vmem>> -> memref<32x128xf32, #tpu.memory_space<vmem>>
    %dma_wait3A_246 = arith.constant 4096 : i32
    %dma_wait3A_247 = tpu.memref_slice %arg2[%mul3A_2, %dma_wait3A_246] : memref<1024x65536xf32, #tpu.memory_space<hbm>> -> memref<32x128xf32, #tpu.memory_space<hbm>>
    tpu.wait_dma2 semaphore(%arg6 : memref<!tpu.dma_semaphore, #tpu.memory_space<semaphore_mem>>) src(%dma_wait3A_247 : memref<32x128xf32, #tpu.memory_space<hbm>>) dst(%dma_wait3A_245 : memref<32x128xf32, #tpu.memory_space<vmem>>)
    %dma_wait3A_248 = arith.constant 3 : i32
    %dma_wait3A_249 = arith.constant 0 : i32
    %dma_wait3A_250 = arith.constant 0 : i32
    %dma_wait3A_251 = tpu.memref_slice %arg4[%dma_wait3A_248, %dma_wait3A_249, %dma_wait3A_250] : memref<16x32x128xf32, #tpu.memory_space<vmem>> -> memref<1x32x128xf32, #tpu.memory_space<vmem>>
    %dma_wait3A_252 = tpu.memref_squeeze %dma_wait3A_251 : memref<1x32x128xf32, #tpu.memory_space<vmem>> -> memref<32x128xf32, #tpu.memory_space<vmem>>
    %dma_wait3A_253 = arith.constant 6144 : i32
    %dma_wait3A_254 = tpu.memref_slice %arg2[%mul3A_2, %dma_wait3A_253] : memref<1024x65536xf32, #tpu.memory_space<hbm>> -> memref<32x128xf32, #tpu.memory_space<hbm>>
    %dma_wait3A_255 = arith.constant 0 : i32
    %dma_wait3A_256 = arith.constant 0 : i32
    %dma_wait3A_257 = tpu.memref_slice %arg4[%dma_wait3A_248, %dma_wait3A_255, %dma_wait3A_256] : memref<16x32x128xf32, #tpu.memory_space<vmem>> -> memref<1x32x128xf32, #tpu.memory_space<vmem>>
    %dma_wait3A_258 = tpu.memref_squeeze %dma_wait3A_257 : memref<1x32x128xf32, #tpu.memory_space<vmem>> -> memref<32x128xf32, #tpu.memory_space<vmem>>
    %dma_wait3A_259 = arith.constant 6144 : i32
    %dma_wait3A_260 = tpu.memref_slice %arg2[%mul3A_2, %dma_wait3A_259] : memref<1024x65536xf32, #tpu.memory_space<hbm>> -> memref<32x128xf32, #tpu.memory_space<hbm>>
    tpu.wait_dma2 semaphore(%arg6 : memref<!tpu.dma_semaphore, #tpu.memory_space<semaphore_mem>>) src(%dma_wait3A_260 : memref<32x128xf32, #tpu.memory_space<hbm>>) dst(%dma_wait3A_258 : memref<32x128xf32, #tpu.memory_space<vmem>>)
    %dma_wait3A_261 = arith.constant 4 : i32
    %dma_wait3A_262 = arith.constant 0 : i32
    %dma_wait3A_263 = arith.constant 0 : i32
    %dma_wait3A_264 = tpu.memref_slice %arg4[%dma_wait3A_261, %dma_wait3A_262, %dma_wait3A_263] : memref<16x32x128xf32, #tpu.memory_space<vmem>> -> memref<1x32x128xf32, #tpu.memory_space<vmem>>
    %dma_wait3A_265 = tpu.memref_squeeze %dma_wait3A_264 : memref<1x32x128xf32, #tpu.memory_space<vmem>> -> memref<32x128xf32, #tpu.memory_space<vmem>>
    %dma_wait3A_266 = arith.constant 8192 : i32
    %dma_wait3A_267 = tpu.memref_slice %arg2[%mul3A_2, %dma_wait3A_266] : memref<1024x65536xf32, #tpu.memory_space<hbm>> -> memref<32x128xf32, #tpu.memory_space<hbm>>
    %dma_wait3A_268 = arith.constant 0 : i32
    %dma_wait3A_269 = arith.constant 0 : i32
    %dma_wait3A_270 = tpu.memref_slice %arg4[%dma_wait3A_261, %dma_wait3A_268, %dma_wait3A_269] : memref<16x32x128xf32, #tpu.memory_space<vmem>> -> memref<1x32x128xf32, #tpu.memory_space<vmem>>
    %dma_wait3A_271 = tpu.memref_squeeze %dma_wait3A_270 : memref<1x32x128xf32, #tpu.memory_space<vmem>> -> memref<32x128xf32, #tpu.memory_space<vmem>>
    %dma_wait3A_272 = arith.constant 8192 : i32
    %dma_wait3A_273 = tpu.memref_slice %arg2[%mul3A_2, %dma_wait3A_272] : memref<1024x65536xf32, #tpu.memory_space<hbm>> -> memref<32x128xf32, #tpu.memory_space<hbm>>
    tpu.wait_dma2 semaphore(%arg6 : memref<!tpu.dma_semaphore, #tpu.memory_space<semaphore_mem>>) src(%dma_wait3A_273 : memref<32x128xf32, #tpu.memory_space<hbm>>) dst(%dma_wait3A_271 : memref<32x128xf32, #tpu.memory_space<vmem>>)
    %dma_wait3A_274 = arith.constant 5 : i32
    %dma_wait3A_275 = arith.constant 0 : i32
    %dma_wait3A_276 = arith.constant 0 : i32
    %dma_wait3A_277 = tpu.memref_slice %arg4[%dma_wait3A_274, %dma_wait3A_275, %dma_wait3A_276] : memref<16x32x128xf32, #tpu.memory_space<vmem>> -> memref<1x32x128xf32, #tpu.memory_space<vmem>>
    %dma_wait3A_278 = tpu.memref_squeeze %dma_wait3A_277 : memref<1x32x128xf32, #tpu.memory_space<vmem>> -> memref<32x128xf32, #tpu.memory_space<vmem>>
    %dma_wait3A_279 = arith.constant 10240 : i32
    %dma_wait3A_280 = tpu.memref_slice %arg2[%mul3A_2, %dma_wait3A_279] : memref<1024x65536xf32, #tpu.memory_space<hbm>> -> memref<32x128xf32, #tpu.memory_space<hbm>>
    %dma_wait3A_281 = arith.constant 0 : i32
    %dma_wait3A_282 = arith.constant 0 : i32
    %dma_wait3A_283 = tpu.memref_slice %arg4[%dma_wait3A_274, %dma_wait3A_281, %dma_wait3A_282] : memref<16x32x128xf32, #tpu.memory_space<vmem>> -> memref<1x32x128xf32, #tpu.memory_space<vmem>>
    %dma_wait3A_284 = tpu.memref_squeeze %dma_wait3A_283 : memref<1x32x128xf32, #tpu.memory_space<vmem>> -> memref<32x128xf32, #tpu.memory_space<vmem>>
    %dma_wait3A_285 = arith.constant 10240 : i32
    %dma_wait3A_286 = tpu.memref_slice %arg2[%mul3A_2, %dma_wait3A_285] : memref<1024x65536xf32, #tpu.memory_space<hbm>> -> memref<32x128xf32, #tpu.memory_space<hbm>>
    tpu.wait_dma2 semaphore(%arg6 : memref<!tpu.dma_semaphore, #tpu.memory_space<semaphore_mem>>) src(%dma_wait3A_286 : memref<32x128xf32, #tpu.memory_space<hbm>>) dst(%dma_wait3A_284 : memref<32x128xf32, #tpu.memory_space<vmem>>)
    %dma_wait3A_287 = arith.constant 6 : i32
    %dma_wait3A_288 = arith.constant 0 : i32
    %dma_wait3A_289 = arith.constant 0 : i32
    %dma_wait3A_290 = tpu.memref_slice %arg4[%dma_wait3A_287, %dma_wait3A_288, %dma_wait3A_289] : memref<16x32x128xf32, #tpu.memory_space<vmem>> -> memref<1x32x128xf32, #tpu.memory_space<vmem>>
    %dma_wait3A_291 = tpu.memref_squeeze %dma_wait3A_290 : memref<1x32x128xf32, #tpu.memory_space<vmem>> -> memref<32x128xf32, #tpu.memory_space<vmem>>
    %dma_wait3A_292 = arith.constant 12288 : i32
    %dma_wait3A_293 = tpu.memref_slice %arg2[%mul3A_2, %dma_wait3A_292] : memref<1024x65536xf32, #tpu.memory_space<hbm>> -> memref<32x128xf32, #tpu.memory_space<hbm>>
    %dma_wait3A_294 = arith.constant 0 : i32
    %dma_wait3A_295 = arith.constant 0 : i32
    %dma_wait3A_296 = tpu.memref_slice %arg4[%dma_wait3A_287, %dma_wait3A_294, %dma_wait3A_295] : memref<16x32x128xf32, #tpu.memory_space<vmem>> -> memref<1x32x128xf32, #tpu.memory_space<vmem>>
    %dma_wait3A_297 = tpu.memref_squeeze %dma_wait3A_296 : memref<1x32x128xf32, #tpu.memory_space<vmem>> -> memref<32x128xf32, #tpu.memory_space<vmem>>
    %dma_wait3A_298 = arith.constant 12288 : i32
    %dma_wait3A_299 = tpu.memref_slice %arg2[%mul3A_2, %dma_wait3A_298] : memref<1024x65536xf32, #tpu.memory_space<hbm>> -> memref<32x128xf32, #tpu.memory_space<hbm>>
    tpu.wait_dma2 semaphore(%arg6 : memref<!tpu.dma_semaphore, #tpu.memory_space<semaphore_mem>>) src(%dma_wait3A_299 : memref<32x128xf32, #tpu.memory_space<hbm>>) dst(%dma_wait3A_297 : memref<32x128xf32, #tpu.memory_space<vmem>>)
    %dma_wait3A_300 = arith.constant 7 : i32
    %dma_wait3A_301 = arith.constant 0 : i32
    %dma_wait3A_302 = arith.constant 0 : i32
    %dma_wait3A_303 = tpu.memref_slice %arg4[%dma_wait3A_300, %dma_wait3A_301, %dma_wait3A_302] : memref<16x32x128xf32, #tpu.memory_space<vmem>> -> memref<1x32x128xf32, #tpu.memory_space<vmem>>
    %dma_wait3A_304 = tpu.memref_squeeze %dma_wait3A_303 : memref<1x32x128xf32, #tpu.memory_space<vmem>> -> memref<32x128xf32, #tpu.memory_space<vmem>>
    %dma_wait3A_305 = arith.constant 14336 : i32
    %dma_wait3A_306 = tpu.memref_slice %arg2[%mul3A_2, %dma_wait3A_305] : memref<1024x65536xf32, #tpu.memory_space<hbm>> -> memref<32x128xf32, #tpu.memory_space<hbm>>
    %dma_wait3A_307 = arith.constant 0 : i32
    %dma_wait3A_308 = arith.constant 0 : i32
    %dma_wait3A_309 = tpu.memref_slice %arg4[%dma_wait3A_300, %dma_wait3A_307, %dma_wait3A_308] : memref<16x32x128xf32, #tpu.memory_space<vmem>> -> memref<1x32x128xf32, #tpu.memory_space<vmem>>
    %dma_wait3A_310 = tpu.memref_squeeze %dma_wait3A_309 : memref<1x32x128xf32, #tpu.memory_space<vmem>> -> memref<32x128xf32, #tpu.memory_space<vmem>>
    %dma_wait3A_311 = arith.constant 14336 : i32
    %dma_wait3A_312 = tpu.memref_slice %arg2[%mul3A_2, %dma_wait3A_311] : memref<1024x65536xf32, #tpu.memory_space<hbm>> -> memref<32x128xf32, #tpu.memory_space<hbm>>
    tpu.wait_dma2 semaphore(%arg6 : memref<!tpu.dma_semaphore, #tpu.memory_space<semaphore_mem>>) src(%dma_wait3A_312 : memref<32x128xf32, #tpu.memory_space<hbm>>) dst(%dma_wait3A_310 : memref<32x128xf32, #tpu.memory_space<vmem>>)
    %dma_wait3A_313 = arith.constant 8 : i32
    %dma_wait3A_314 = arith.constant 0 : i32
    %dma_wait3A_315 = arith.constant 0 : i32
    %dma_wait3A_316 = tpu.memref_slice %arg4[%dma_wait3A_313, %dma_wait3A_314, %dma_wait3A_315] : memref<16x32x128xf32, #tpu.memory_space<vmem>> -> memref<1x32x128xf32, #tpu.memory_space<vmem>>
    %dma_wait3A_317 = tpu.memref_squeeze %dma_wait3A_316 : memref<1x32x128xf32, #tpu.memory_space<vmem>> -> memref<32x128xf32, #tpu.memory_space<vmem>>
    %dma_wait3A_318 = arith.constant 16384 : i32
    %dma_wait3A_319 = tpu.memref_slice %arg2[%mul3A_2, %dma_wait3A_318] : memref<1024x65536xf32, #tpu.memory_space<hbm>> -> memref<32x128xf32, #tpu.memory_space<hbm>>
    %dma_wait3A_320 = arith.constant 0 : i32
    %dma_wait3A_321 = arith.constant 0 : i32
    %dma_wait3A_322 = tpu.memref_slice %arg4[%dma_wait3A_313, %dma_wait3A_320, %dma_wait3A_321] : memref<16x32x128xf32, #tpu.memory_space<vmem>> -> memref<1x32x128xf32, #tpu.memory_space<vmem>>
    %dma_wait3A_323 = tpu.memref_squeeze %dma_wait3A_322 : memref<1x32x128xf32, #tpu.memory_space<vmem>> -> memref<32x128xf32, #tpu.memory_space<vmem>>
    %dma_wait3A_324 = arith.constant 16384 : i32
    %dma_wait3A_325 = tpu.memref_slice %arg2[%mul3A_2, %dma_wait3A_324] : memref<1024x65536xf32, #tpu.memory_space<hbm>> -> memref<32x128xf32, #tpu.memory_space<hbm>>
    tpu.wait_dma2 semaphore(%arg6 : memref<!tpu.dma_semaphore, #tpu.memory_space<semaphore_mem>>) src(%dma_wait3A_325 : memref<32x128xf32, #tpu.memory_space<hbm>>) dst(%dma_wait3A_323 : memref<32x128xf32, #tpu.memory_space<vmem>>)
    %dma_wait3A_326 = arith.constant 9 : i32
    %dma_wait3A_327 = arith.constant 0 : i32
    %dma_wait3A_328 = arith.constant 0 : i32
    %dma_wait3A_329 = tpu.memref_slice %arg4[%dma_wait3A_326, %dma_wait3A_327, %dma_wait3A_328] : memref<16x32x128xf32, #tpu.memory_space<vmem>> -> memref<1x32x128xf32, #tpu.memory_space<vmem>>
    %dma_wait3A_330 = tpu.memref_squeeze %dma_wait3A_329 : memref<1x32x128xf32, #tpu.memory_space<vmem>> -> memref<32x128xf32, #tpu.memory_space<vmem>>
    %dma_wait3A_331 = arith.constant 18432 : i32
    %dma_wait3A_332 = tpu.memref_slice %arg2[%mul3A_2, %dma_wait3A_331] : memref<1024x65536xf32, #tpu.memory_space<hbm>> -> memref<32x128xf32, #tpu.memory_space<hbm>>
    %dma_wait3A_333 = arith.constant 0 : i32
    %dma_wait3A_334 = arith.constant 0 : i32
    %dma_wait3A_335 = tpu.memref_slice %arg4[%dma_wait3A_326, %dma_wait3A_333, %dma_wait3A_334] : memref<16x32x128xf32, #tpu.memory_space<vmem>> -> memref<1x32x128xf32, #tpu.memory_space<vmem>>
    %dma_wait3A_336 = tpu.memref_squeeze %dma_wait3A_335 : memref<1x32x128xf32, #tpu.memory_space<vmem>> -> memref<32x128xf32, #tpu.memory_space<vmem>>
    %dma_wait3A_337 = arith.constant 18432 : i32
    %dma_wait3A_338 = tpu.memref_slice %arg2[%mul3A_2, %dma_wait3A_337] : memref<1024x65536xf32, #tpu.memory_space<hbm>> -> memref<32x128xf32, #tpu.memory_space<hbm>>
    tpu.wait_dma2 semaphore(%arg6 : memref<!tpu.dma_semaphore, #tpu.memory_space<semaphore_mem>>) src(%dma_wait3A_338 : memref<32x128xf32, #tpu.memory_space<hbm>>) dst(%dma_wait3A_336 : memref<32x128xf32, #tpu.memory_space<vmem>>)
    %dma_wait3A_339 = arith.constant 10 : i32
    %dma_wait3A_340 = arith.constant 0 : i32
    %dma_wait3A_341 = arith.constant 0 : i32
    %dma_wait3A_342 = tpu.memref_slice %arg4[%dma_wait3A_339, %dma_wait3A_340, %dma_wait3A_341] : memref<16x32x128xf32, #tpu.memory_space<vmem>> -> memref<1x32x128xf32, #tpu.memory_space<vmem>>
    %dma_wait3A_343 = tpu.memref_squeeze %dma_wait3A_342 : memref<1x32x128xf32, #tpu.memory_space<vmem>> -> memref<32x128xf32, #tpu.memory_space<vmem>>
    %dma_wait3A_344 = arith.constant 20480 : i32
    %dma_wait3A_345 = tpu.memref_slice %arg2[%mul3A_2, %dma_wait3A_344] : memref<1024x65536xf32, #tpu.memory_space<hbm>> -> memref<32x128xf32, #tpu.memory_space<hbm>>
    %dma_wait3A_346 = arith.constant 0 : i32
    %dma_wait3A_347 = arith.constant 0 : i32
    %dma_wait3A_348 = tpu.memref_slice %arg4[%dma_wait3A_339, %dma_wait3A_346, %dma_wait3A_347] : memref<16x32x128xf32, #tpu.memory_space<vmem>> -> memref<1x32x128xf32, #tpu.memory_space<vmem>>
    %dma_wait3A_349 = tpu.memref_squeeze %dma_wait3A_348 : memref<1x32x128xf32, #tpu.memory_space<vmem>> -> memref<32x128xf32, #tpu.memory_space<vmem>>
    %dma_wait3A_350 = arith.constant 20480 : i32
    %dma_wait3A_351 = tpu.memref_slice %arg2[%mul3A_2, %dma_wait3A_350] : memref<1024x65536xf32, #tpu.memory_space<hbm>> -> memref<32x128xf32, #tpu.memory_space<hbm>>
    tpu.wait_dma2 semaphore(%arg6 : memref<!tpu.dma_semaphore, #tpu.memory_space<semaphore_mem>>) src(%dma_wait3A_351 : memref<32x128xf32, #tpu.memory_space<hbm>>) dst(%dma_wait3A_349 : memref<32x128xf32, #tpu.memory_space<vmem>>)
    %dma_wait3A_352 = arith.constant 11 : i32
    %dma_wait3A_353 = arith.constant 0 : i32
    %dma_wait3A_354 = arith.constant 0 : i32
    %dma_wait3A_355 = tpu.memref_slice %arg4[%dma_wait3A_352, %dma_wait3A_353, %dma_wait3A_354] : memref<16x32x128xf32, #tpu.memory_space<vmem>> -> memref<1x32x128xf32, #tpu.memory_space<vmem>>
    %dma_wait3A_356 = tpu.memref_squeeze %dma_wait3A_355 : memref<1x32x128xf32, #tpu.memory_space<vmem>> -> memref<32x128xf32, #tpu.memory_space<vmem>>
    %dma_wait3A_357 = arith.constant 22528 : i32
    %dma_wait3A_358 = tpu.memref_slice %arg2[%mul3A_2, %dma_wait3A_357] : memref<1024x65536xf32, #tpu.memory_space<hbm>> -> memref<32x128xf32, #tpu.memory_space<hbm>>
    %dma_wait3A_359 = arith.constant 0 : i32
    %dma_wait3A_360 = arith.constant 0 : i32
    %dma_wait3A_361 = tpu.memref_slice %arg4[%dma_wait3A_352, %dma_wait3A_359, %dma_wait3A_360] : memref<16x32x128xf32, #tpu.memory_space<vmem>> -> memref<1x32x128xf32, #tpu.memory_space<vmem>>
    %dma_wait3A_362 = tpu.memref_squeeze %dma_wait3A_361 : memref<1x32x128xf32, #tpu.memory_space<vmem>> -> memref<32x128xf32, #tpu.memory_space<vmem>>
    %dma_wait3A_363 = arith.constant 22528 : i32
    %dma_wait3A_364 = tpu.memref_slice %arg2[%mul3A_2, %dma_wait3A_363] : memref<1024x65536xf32, #tpu.memory_space<hbm>> -> memref<32x128xf32, #tpu.memory_space<hbm>>
    tpu.wait_dma2 semaphore(%arg6 : memref<!tpu.dma_semaphore, #tpu.memory_space<semaphore_mem>>) src(%dma_wait3A_364 : memref<32x128xf32, #tpu.memory_space<hbm>>) dst(%dma_wait3A_362 : memref<32x128xf32, #tpu.memory_space<vmem>>)
    %dma_wait3A_365 = arith.constant 12 : i32
    %dma_wait3A_366 = arith.constant 0 : i32
    %dma_wait3A_367 = arith.constant 0 : i32
    %dma_wait3A_368 = tpu.memref_slice %arg4[%dma_wait3A_365, %dma_wait3A_366, %dma_wait3A_367] : memref<16x32x128xf32, #tpu.memory_space<vmem>> -> memref<1x32x128xf32, #tpu.memory_space<vmem>>
    %dma_wait3A_369 = tpu.memref_squeeze %dma_wait3A_368 : memref<1x32x128xf32, #tpu.memory_space<vmem>> -> memref<32x128xf32, #tpu.memory_space<vmem>>
    %dma_wait3A_370 = arith.constant 24576 : i32
    %dma_wait3A_371 = tpu.memref_slice %arg2[%mul3A_2, %dma_wait3A_370] : memref<1024x65536xf32, #tpu.memory_space<hbm>> -> memref<32x128xf32, #tpu.memory_space<hbm>>
    %dma_wait3A_372 = arith.constant 0 : i32
    %dma_wait3A_373 = arith.constant 0 : i32
    %dma_wait3A_374 = tpu.memref_slice %arg4[%dma_wait3A_365, %dma_wait3A_372, %dma_wait3A_373] : memref<16x32x128xf32, #tpu.memory_space<vmem>> -> memref<1x32x128xf32, #tpu.memory_space<vmem>>
    %dma_wait3A_375 = tpu.memref_squeeze %dma_wait3A_374 : memref<1x32x128xf32, #tpu.memory_space<vmem>> -> memref<32x128xf32, #tpu.memory_space<vmem>>
    %dma_wait3A_376 = arith.constant 24576 : i32
    %dma_wait3A_377 = tpu.memref_slice %arg2[%mul3A_2, %dma_wait3A_376] : memref<1024x65536xf32, #tpu.memory_space<hbm>> -> memref<32x128xf32, #tpu.memory_space<hbm>>
    tpu.wait_dma2 semaphore(%arg6 : memref<!tpu.dma_semaphore, #tpu.memory_space<semaphore_mem>>) src(%dma_wait3A_377 : memref<32x128xf32, #tpu.memory_space<hbm>>) dst(%dma_wait3A_375 : memref<32x128xf32, #tpu.memory_space<vmem>>)
    %dma_wait3A_378 = arith.constant 13 : i32
    %dma_wait3A_379 = arith.constant 0 : i32
    %dma_wait3A_380 = arith.constant 0 : i32
    %dma_wait3A_381 = tpu.memref_slice %arg4[%dma_wait3A_378, %dma_wait3A_379, %dma_wait3A_380] : memref<16x32x128xf32, #tpu.memory_space<vmem>> -> memref<1x32x128xf32, #tpu.memory_space<vmem>>
    %dma_wait3A_382 = tpu.memref_squeeze %dma_wait3A_381 : memref<1x32x128xf32, #tpu.memory_space<vmem>> -> memref<32x128xf32, #tpu.memory_space<vmem>>
    %dma_wait3A_383 = arith.constant 26624 : i32
    %dma_wait3A_384 = tpu.memref_slice %arg2[%mul3A_2, %dma_wait3A_383] : memref<1024x65536xf32, #tpu.memory_space<hbm>> -> memref<32x128xf32, #tpu.memory_space<hbm>>
    %dma_wait3A_385 = arith.constant 0 : i32
    %dma_wait3A_386 = arith.constant 0 : i32
    %dma_wait3A_387 = tpu.memref_slice %arg4[%dma_wait3A_378, %dma_wait3A_385, %dma_wait3A_386] : memref<16x32x128xf32, #tpu.memory_space<vmem>> -> memref<1x32x128xf32, #tpu.memory_space<vmem>>
    %dma_wait3A_388 = tpu.memref_squeeze %dma_wait3A_387 : memref<1x32x128xf32, #tpu.memory_space<vmem>> -> memref<32x128xf32, #tpu.memory_space<vmem>>
    %dma_wait3A_389 = arith.constant 26624 : i32
    %dma_wait3A_390 = tpu.memref_slice %arg2[%mul3A_2, %dma_wait3A_389] : memref<1024x65536xf32, #tpu.memory_space<hbm>> -> memref<32x128xf32, #tpu.memory_space<hbm>>
    tpu.wait_dma2 semaphore(%arg6 : memref<!tpu.dma_semaphore, #tpu.memory_space<semaphore_mem>>) src(%dma_wait3A_390 : memref<32x128xf32, #tpu.memory_space<hbm>>) dst(%dma_wait3A_388 : memref<32x128xf32, #tpu.memory_space<vmem>>)
    %dma_wait3A_391 = arith.constant 14 : i32
    %dma_wait3A_392 = arith.constant 0 : i32
    %dma_wait3A_393 = arith.constant 0 : i32
    %dma_wait3A_394 = tpu.memref_slice %arg4[%dma_wait3A_391, %dma_wait3A_392, %dma_wait3A_393] : memref<16x32x128xf32, #tpu.memory_space<vmem>> -> memref<1x32x128xf32, #tpu.memory_space<vmem>>
    %dma_wait3A_395 = tpu.memref_squeeze %dma_wait3A_394 : memref<1x32x128xf32, #tpu.memory_space<vmem>> -> memref<32x128xf32, #tpu.memory_space<vmem>>
    %dma_wait3A_396 = arith.constant 28672 : i32
    %dma_wait3A_397 = tpu.memref_slice %arg2[%mul3A_2, %dma_wait3A_396] : memref<1024x65536xf32, #tpu.memory_space<hbm>> -> memref<32x128xf32, #tpu.memory_space<hbm>>
    %dma_wait3A_398 = arith.constant 0 : i32
    %dma_wait3A_399 = arith.constant 0 : i32
    %dma_wait3A_400 = tpu.memref_slice %arg4[%dma_wait3A_391, %dma_wait3A_398, %dma_wait3A_399] : memref<16x32x128xf32, #tpu.memory_space<vmem>> -> memref<1x32x128xf32, #tpu.memory_space<vmem>>
    %dma_wait3A_401 = tpu.memref_squeeze %dma_wait3A_400 : memref<1x32x128xf32, #tpu.memory_space<vmem>> -> memref<32x128xf32, #tpu.memory_space<vmem>>
    %dma_wait3A_402 = arith.constant 28672 : i32
    %dma_wait3A_403 = tpu.memref_slice %arg2[%mul3A_2, %dma_wait3A_402] : memref<1024x65536xf32, #tpu.memory_space<hbm>> -> memref<32x128xf32, #tpu.memory_space<hbm>>
    tpu.wait_dma2 semaphore(%arg6 : memref<!tpu.dma_semaphore, #tpu.memory_space<semaphore_mem>>) src(%dma_wait3A_403 : memref<32x128xf32, #tpu.memory_space<hbm>>) dst(%dma_wait3A_401 : memref<32x128xf32, #tpu.memory_space<vmem>>)
    %dma_wait3A_404 = arith.constant 15 : i32
    %dma_wait3A_405 = arith.constant 0 : i32
    %dma_wait3A_406 = arith.constant 0 : i32
    %dma_wait3A_407 = tpu.memref_slice %arg4[%dma_wait3A_404, %dma_wait3A_405, %dma_wait3A_406] : memref<16x32x128xf32, #tpu.memory_space<vmem>> -> memref<1x32x128xf32, #tpu.memory_space<vmem>>
    %dma_wait3A_408 = tpu.memref_squeeze %dma_wait3A_407 : memref<1x32x128xf32, #tpu.memory_space<vmem>> -> memref<32x128xf32, #tpu.memory_space<vmem>>
    %dma_wait3A_409 = arith.constant 30720 : i32
    %dma_wait3A_410 = tpu.memref_slice %arg2[%mul3A_2, %dma_wait3A_409] : memref<1024x65536xf32, #tpu.memory_space<hbm>> -> memref<32x128xf32, #tpu.memory_space<hbm>>
    %dma_wait3A_411 = arith.constant 0 : i32
    %dma_wait3A_412 = arith.constant 0 : i32
    %dma_wait3A_413 = tpu.memref_slice %arg4[%dma_wait3A_404, %dma_wait3A_411, %dma_wait3A_412] : memref<16x32x128xf32, #tpu.memory_space<vmem>> -> memref<1x32x128xf32, #tpu.memory_space<vmem>>
    %dma_wait3A_414 = tpu.memref_squeeze %dma_wait3A_413 : memref<1x32x128xf32, #tpu.memory_space<vmem>> -> memref<32x128xf32, #tpu.memory_space<vmem>>
    %dma_wait3A_415 = arith.constant 30720 : i32
    %dma_wait3A_416 = tpu.memref_slice %arg2[%mul3A_2, %dma_wait3A_415] : memref<1024x65536xf32, #tpu.memory_space<hbm>> -> memref<32x128xf32, #tpu.memory_space<hbm>>
    tpu.wait_dma2 semaphore(%arg6 : memref<!tpu.dma_semaphore, #tpu.memory_space<semaphore_mem>>) src(%dma_wait3A_416 : memref<32x128xf32, #tpu.memory_space<hbm>>) dst(%dma_wait3A_414 : memref<32x128xf32, #tpu.memory_space<vmem>>)
    %iota3A = tpu.iota {dimensions = array<i32: 0>} : vector<16xi32>
    %broadcast_in_dim3A = arith.constant 0 : i32
    %broadcast_in_dim3A_417 = vector.broadcast %broadcast_in_dim3A : i32 to vector<16xi32>
    %scan3A = arith.constant 0 : i32
    %scan3A_418 = arith.constant 0 : i32
    %scan3A_419 = arith.constant 32 : i32
    %scan3A_420 = arith.addi %scan3A_418, %scan3A_419 : i32
    %scan3A_421 = arith.constant 1 : i32
    scf.for %scan3A_423 = %scan3A_418 to %scan3A_420 step %scan3A_421  : i32 {
      %broadcast_in_dim3A_424 = vector.broadcast %scan3A_423 : i32 to vector<16xi32>
      %gather3A = tpu.vector_load_idx %arg4[%iota3A, %broadcast_in_dim3A_424, %broadcast_in_dim3A_417] : memref<16x32x128xf32, #tpu.memory_space<vmem>>[vector<16xi32>, vector<16xi32>, vector<16xi32>], vector<16xf32>,
      %swap3A = arith.index_cast %scan3A_423 : i32 to index
      %swap3A_425 = arith.constant 0 : index
      %swap3A_426 = tpu.vector_load %arg5[%swap3A, %swap3A_425] {strides = array<i32>} : memref<32x16xf32, #tpu.memory_space<vmem>>, vector<16xf32>,
      tpu.vector_store %arg5[%swap3A, %swap3A_425], %gather3A {strides = array<i32>} : memref<32x16xf32, #tpu.memory_space<vmem>>, vector<16xf32>,
    }
    %scan3A_422 = arith.constant 32 : i32
    "tpu.region"() ({
      %run_scoped3A = tpu.sem_alloc : memref<!tpu.dma_semaphore, #tpu.memory_space<semaphore_mem>>
      %dma_start3A_423 = arith.constant 0 : i32
      %dma_start3A_424 = tpu.memref_slice %arg3[%mul3A_2, %dma_start3A_423] : memref<1024x16xf32, #tpu.memory_space<hbm>> -> memref<32x16xf32, #tpu.memory_space<hbm>>
      %dma_start3A_425 = arith.constant 0 : i32
      %dma_start3A_426 = tpu.memref_slice %arg3[%mul3A_2, %dma_start3A_425] : memref<1024x16xf32, #tpu.memory_space<hbm>> -> memref<32x16xf32, #tpu.memory_space<hbm>>
      tpu.enqueue_dma source(%arg5 : memref<32x16xf32, #tpu.memory_space<vmem>>) target(%dma_start3A_426 : memref<32x16xf32, #tpu.memory_space<hbm>>) target_semaphore(%run_scoped3A : memref<!tpu.dma_semaphore, #tpu.memory_space<semaphore_mem>>)
      %dma_wait3A_427 = arith.constant 0 : i32
      %dma_wait3A_428 = tpu.memref_slice %arg3[%mul3A_2, %dma_wait3A_427] : memref<1024x16xf32, #tpu.memory_space<hbm>> -> memref<32x16xf32, #tpu.memory_space<hbm>>
      %dma_wait3A_429 = arith.constant 0 : i32
      %dma_wait3A_430 = tpu.memref_slice %arg3[%mul3A_2, %dma_wait3A_429] : memref<1024x16xf32, #tpu.memory_space<hbm>> -> memref<32x16xf32, #tpu.memory_space<hbm>>
      tpu.wait_dma2 semaphore(%run_scoped3A : memref<!tpu.dma_semaphore, #tpu.memory_space<semaphore_mem>>) src(%arg5 : memref<32x16xf32, #tpu.memory_space<vmem>>) dst(%dma_wait3A_430 : memref<32x16xf32, #tpu.memory_space<hbm>>)
      tpu.yield
    }) : () -> ()
    return
  }
}

module attributes {stable_mosaic.version = 14 : i64} {
  func.func @_tc_body(%arg0: i32, %arg1: memref<1024x128xf32, #tpu.memory_space<vmem>>, %arg2: memref<1024x128xf32, #tpu.memory_space<vmem>>, %arg3: memref<1024x128xf32, #tpu.memory_space<vmem>>, %arg4: memref<1024x128xf32, #tpu.memory_space<vmem>>, %arg5: memref<1024x128xf32, #tpu.memory_space<vmem>>, %arg6: memref<1024x128xf32, #tpu.memory_space<vmem>>, %arg7: memref<1024x128xf32, #tpu.memory_space<vmem>>, %arg8: memref<1024x128xf32, #tpu.memory_space<vmem>>, %arg9: memref<1024x128xf32, #tpu.memory_space<vmem>>, %arg10: memref<1024x128xf32, #tpu.memory_space<vmem>>, %arg11: memref<1024x128xf32, #tpu.memory_space<vmem>>, %arg12: memref<1024x128xf32, #tpu.memory_space<vmem>>, %arg13: memref<1024x128xf32, #tpu.memory_space<vmem>>, %arg14: memref<1024x128xf32, #tpu.memory_space<vmem>>, %arg15: memref<1024x128xf32, #tpu.memory_space<vmem>>, %arg16: memref<1024x128xf32, #tpu.memory_space<vmem>>, %arg17: memref<1024x16xf32, #tpu.memory_space<vmem>>) attributes {dimension_semantics = [#tpu.dimension_semantics<arbitrary>], iteration_bounds = array<i64: 1>, scalar_prefetch = 0 : i64, scratch_operands = 0 : i64, tpu.core_type = #tpu.core_type<tc>, window_params = [{transform_indices = @transform_0, window_bounds = array<i64: 1024, 128>}, {transform_indices = @transform_1, window_bounds = array<i64: 1024, 128>}, {transform_indices = @transform_2, window_bounds = array<i64: 1024, 128>}, {transform_indices = @transform_3, window_bounds = array<i64: 1024, 128>}, {transform_indices = @transform_4, window_bounds = array<i64: 1024, 128>}, {transform_indices = @transform_5, window_bounds = array<i64: 1024, 128>}, {transform_indices = @transform_6, window_bounds = array<i64: 1024, 128>}, {transform_indices = @transform_7, window_bounds = array<i64: 1024, 128>}, {transform_indices = @transform_8, window_bounds = array<i64: 1024, 128>}, {transform_indices = @transform_9, window_bounds = array<i64: 1024, 128>}, {transform_indices = @transform_10, window_bounds = array<i64: 1024, 128>}, {transform_indices = @transform_11, window_bounds = array<i64: 1024, 128>}, {transform_indices = @transform_12, window_bounds = array<i64: 1024, 128>}, {transform_indices = @transform_13, window_bounds = array<i64: 1024, 128>}, {transform_indices = @transform_14, window_bounds = array<i64: 1024, 128>}, {transform_indices = @transform_15, window_bounds = array<i64: 1024, 128>}, {pipeline_mode = #tpu.pipeline_mode<synchronous>, transform_indices = @transform_16, window_bounds = array<i64: 1024, 16>}]} {
    %get3A = arith.constant 0 : index
    %get3A_0 = arith.constant 0 : index
    %get3A_1 = vector.load %arg1[%get3A, %get3A_0] : memref<1024x128xf32, #tpu.memory_space<vmem>>, vector<1024x1xf32>
    %get3A_2 = arith.constant 0 : index
    %get3A_3 = arith.constant 0 : index
    %get3A_4 = vector.load %arg2[%get3A_2, %get3A_3] : memref<1024x128xf32, #tpu.memory_space<vmem>>, vector<1024x1xf32>
    %get3A_5 = arith.constant 0 : index
    %get3A_6 = arith.constant 0 : index
    %get3A_7 = vector.load %arg3[%get3A_5, %get3A_6] : memref<1024x128xf32, #tpu.memory_space<vmem>>, vector<1024x1xf32>
    %get3A_8 = arith.constant 0 : index
    %get3A_9 = arith.constant 0 : index
    %get3A_10 = vector.load %arg4[%get3A_8, %get3A_9] : memref<1024x128xf32, #tpu.memory_space<vmem>>, vector<1024x1xf32>
    %get3A_11 = arith.constant 0 : index
    %get3A_12 = arith.constant 0 : index
    %get3A_13 = vector.load %arg5[%get3A_11, %get3A_12] : memref<1024x128xf32, #tpu.memory_space<vmem>>, vector<1024x1xf32>
    %get3A_14 = arith.constant 0 : index
    %get3A_15 = arith.constant 0 : index
    %get3A_16 = vector.load %arg6[%get3A_14, %get3A_15] : memref<1024x128xf32, #tpu.memory_space<vmem>>, vector<1024x1xf32>
    %get3A_17 = arith.constant 0 : index
    %get3A_18 = arith.constant 0 : index
    %get3A_19 = vector.load %arg7[%get3A_17, %get3A_18] : memref<1024x128xf32, #tpu.memory_space<vmem>>, vector<1024x1xf32>
    %get3A_20 = arith.constant 0 : index
    %get3A_21 = arith.constant 0 : index
    %get3A_22 = vector.load %arg8[%get3A_20, %get3A_21] : memref<1024x128xf32, #tpu.memory_space<vmem>>, vector<1024x1xf32>
    %get3A_23 = arith.constant 0 : index
    %get3A_24 = arith.constant 0 : index
    %get3A_25 = vector.load %arg9[%get3A_23, %get3A_24] : memref<1024x128xf32, #tpu.memory_space<vmem>>, vector<1024x1xf32>
    %get3A_26 = arith.constant 0 : index
    %get3A_27 = arith.constant 0 : index
    %get3A_28 = vector.load %arg10[%get3A_26, %get3A_27] : memref<1024x128xf32, #tpu.memory_space<vmem>>, vector<1024x1xf32>
    %get3A_29 = arith.constant 0 : index
    %get3A_30 = arith.constant 0 : index
    %get3A_31 = vector.load %arg11[%get3A_29, %get3A_30] : memref<1024x128xf32, #tpu.memory_space<vmem>>, vector<1024x1xf32>
    %get3A_32 = arith.constant 0 : index
    %get3A_33 = arith.constant 0 : index
    %get3A_34 = vector.load %arg12[%get3A_32, %get3A_33] : memref<1024x128xf32, #tpu.memory_space<vmem>>, vector<1024x1xf32>
    %get3A_35 = arith.constant 0 : index
    %get3A_36 = arith.constant 0 : index
    %get3A_37 = vector.load %arg13[%get3A_35, %get3A_36] : memref<1024x128xf32, #tpu.memory_space<vmem>>, vector<1024x1xf32>
    %get3A_38 = arith.constant 0 : index
    %get3A_39 = arith.constant 0 : index
    %get3A_40 = vector.load %arg14[%get3A_38, %get3A_39] : memref<1024x128xf32, #tpu.memory_space<vmem>>, vector<1024x1xf32>
    %get3A_41 = arith.constant 0 : index
    %get3A_42 = arith.constant 0 : index
    %get3A_43 = vector.load %arg15[%get3A_41, %get3A_42] : memref<1024x128xf32, #tpu.memory_space<vmem>>, vector<1024x1xf32>
    %get3A_44 = arith.constant 0 : index
    %get3A_45 = arith.constant 0 : index
    %get3A_46 = vector.load %arg16[%get3A_44, %get3A_45] : memref<1024x128xf32, #tpu.memory_space<vmem>>, vector<1024x1xf32>
    %concatenate3A = tpu.concatenate %get3A_1, %get3A_4, %get3A_7, %get3A_10, %get3A_13, %get3A_16, %get3A_19, %get3A_22, %get3A_25, %get3A_28, %get3A_31, %get3A_34, %get3A_37, %get3A_40, %get3A_43, %get3A_46 in 1 : vector<1024x1xf32>, vector<1024x1xf32>, vector<1024x1xf32>, vector<1024x1xf32>, vector<1024x1xf32>, vector<1024x1xf32>, vector<1024x1xf32>, vector<1024x1xf32>, vector<1024x1xf32>, vector<1024x1xf32>, vector<1024x1xf32>, vector<1024x1xf32>, vector<1024x1xf32>, vector<1024x1xf32>, vector<1024x1xf32>, vector<1024x1xf32> -> vector<1024x16xf32>
    %swap3A = arith.constant 0 : index
    %swap3A_47 = arith.constant 0 : index
    %swap3A_48 = vector.load %arg17[%swap3A, %swap3A_47] : memref<1024x16xf32, #tpu.memory_space<vmem>>, vector<1024x16xf32>
    tpu.vector_store %arg17[%swap3A, %swap3A_47], %concatenate3A {strides = array<i32>} : memref<1024x16xf32, #tpu.memory_space<vmem>>, vector<1024x16xf32>,
    return
  }
  func.func @transform_0(%arg0: i32) -> (i32, i32) {
    %c0_i32 = arith.constant 0 : i32
    %c256_i32 = arith.constant 256 : i32
    %c0_i32_0 = arith.constant 0 : i32
    return %c0_i32, %c256_i32 : i32, i32
  }
  func.func @transform_1(%arg0: i32) -> (i32, i32) {
    %c0_i32 = arith.constant 0 : i32
    %c272_i32 = arith.constant 272 : i32
    %c0_i32_0 = arith.constant 0 : i32
    return %c0_i32, %c272_i32 : i32, i32
  }
  func.func @transform_2(%arg0: i32) -> (i32, i32) {
    %c0_i32 = arith.constant 0 : i32
    %c288_i32 = arith.constant 288 : i32
    %c0_i32_0 = arith.constant 0 : i32
    return %c0_i32, %c288_i32 : i32, i32
  }
  func.func @transform_3(%arg0: i32) -> (i32, i32) {
    %c0_i32 = arith.constant 0 : i32
    %c304_i32 = arith.constant 304 : i32
    %c0_i32_0 = arith.constant 0 : i32
    return %c0_i32, %c304_i32 : i32, i32
  }
  func.func @transform_4(%arg0: i32) -> (i32, i32) {
    %c0_i32 = arith.constant 0 : i32
    %c320_i32 = arith.constant 320 : i32
    %c0_i32_0 = arith.constant 0 : i32
    return %c0_i32, %c320_i32 : i32, i32
  }
  func.func @transform_5(%arg0: i32) -> (i32, i32) {
    %c0_i32 = arith.constant 0 : i32
    %c336_i32 = arith.constant 336 : i32
    %c0_i32_0 = arith.constant 0 : i32
    return %c0_i32, %c336_i32 : i32, i32
  }
  func.func @transform_6(%arg0: i32) -> (i32, i32) {
    %c0_i32 = arith.constant 0 : i32
    %c352_i32 = arith.constant 352 : i32
    %c0_i32_0 = arith.constant 0 : i32
    return %c0_i32, %c352_i32 : i32, i32
  }
  func.func @transform_7(%arg0: i32) -> (i32, i32) {
    %c0_i32 = arith.constant 0 : i32
    %c368_i32 = arith.constant 368 : i32
    %c0_i32_0 = arith.constant 0 : i32
    return %c0_i32, %c368_i32 : i32, i32
  }
  func.func @transform_8(%arg0: i32) -> (i32, i32) {
    %c0_i32 = arith.constant 0 : i32
    %c384_i32 = arith.constant 384 : i32
    %c0_i32_0 = arith.constant 0 : i32
    return %c0_i32, %c384_i32 : i32, i32
  }
  func.func @transform_9(%arg0: i32) -> (i32, i32) {
    %c0_i32 = arith.constant 0 : i32
    %c400_i32 = arith.constant 400 : i32
    %c0_i32_0 = arith.constant 0 : i32
    return %c0_i32, %c400_i32 : i32, i32
  }
  func.func @transform_10(%arg0: i32) -> (i32, i32) {
    %c0_i32 = arith.constant 0 : i32
    %c416_i32 = arith.constant 416 : i32
    %c0_i32_0 = arith.constant 0 : i32
    return %c0_i32, %c416_i32 : i32, i32
  }
  func.func @transform_11(%arg0: i32) -> (i32, i32) {
    %c0_i32 = arith.constant 0 : i32
    %c432_i32 = arith.constant 432 : i32
    %c0_i32_0 = arith.constant 0 : i32
    return %c0_i32, %c432_i32 : i32, i32
  }
  func.func @transform_12(%arg0: i32) -> (i32, i32) {
    %c0_i32 = arith.constant 0 : i32
    %c448_i32 = arith.constant 448 : i32
    %c0_i32_0 = arith.constant 0 : i32
    return %c0_i32, %c448_i32 : i32, i32
  }
  func.func @transform_13(%arg0: i32) -> (i32, i32) {
    %c0_i32 = arith.constant 0 : i32
    %c464_i32 = arith.constant 464 : i32
    %c0_i32_0 = arith.constant 0 : i32
    return %c0_i32, %c464_i32 : i32, i32
  }
  func.func @transform_14(%arg0: i32) -> (i32, i32) {
    %c0_i32 = arith.constant 0 : i32
    %c480_i32 = arith.constant 480 : i32
    %c0_i32_0 = arith.constant 0 : i32
    return %c0_i32, %c480_i32 : i32, i32
  }
  func.func @transform_15(%arg0: i32) -> (i32, i32) {
    %c0_i32 = arith.constant 0 : i32
    %c496_i32 = arith.constant 496 : i32
    %c0_i32_0 = arith.constant 0 : i32
    return %c0_i32, %c496_i32 : i32, i32
  }
  func.func @transform_16(%arg0: i32) -> (i32, i32) {
    %c0_i32 = arith.constant 0 : i32
    %c0_i32_0 = arith.constant 0 : i32
    %c0_i32_1 = arith.constant 0 : i32
    return %c0_i32, %c0_i32_0 : i32, i32
  }
}

</mosaic_0001>

<sc_bundles>
// kernel: kernel.4.cloned.1.call-start
scs
__scs_entry_jumppad:
0x0: {  	(pc) =	sbr.rel $0x88, $3  }
0x1: {  	(tag) =	ssettag $0x0;
	lr =	simm.s32 $0x1  }
0x2: {  	[smem:$0x3FA0] =	sst lr;
	_ =	strace $0xD0000000  }
0x3: {  	_ = 	snop  }
0x4: {  	_ = 	snop  }
0x5: {  	_ = 	snop  }
0x6: {  	_ = 	snop  }
0x7: {  	_ = 	snop  }
__scs_overlays_trampoline_lowered:
0x8: {  	[smem:$0x3FAF] =	sst s0  }
0x9: {  	[smem:$0x3FB0] =	sst s1  }
0xa: {  	[smem:$0x3FB1] =	sst s2  }
0xb: {  	[smem:$0x3FB2] =	sst s3  }
0xc: {  	[smem:$0x3FB3] =	sst s4  }
0xd: {  	[smem:$0x3FB4] =	sst s5  }
0xe: {  	[smem:$0x3FB5] =	sst s6  }
0xf: {  	[smem:$0x3FB6] =	sst s7  }
0x10: {  	[smem:$0x3FB7] =	sst s8  }
0x11: {  	[smem:$0x3FB8] =	sst s9;
	s0 =	simm.s32 @!p0 $0x0  }
0x12: {  	s1 =	sld [smem:$0x3F9E];
	s0 =	simm.s32 @p0 $0x1  }
0x13: {  	[smem:$0x3FB9] =	sst s0;
	s0 =	simm.s32 @!p1 $0x0  }
0x14: {  	s2 =	sld [smem:$0x3F9D];
	s0 =	simm.s32 @p1 $0x1  }
0x15: {  	[smem:$0x3FBA] =	sst s0;
	s0 =	simm.s32 @!p2 $0x0  }
0x16: {  	s3 =	sld [smem:$0x3FDB];
	s0 =	simm.s32 @p2 $0x1  }
0x17: {  	s4 =	simm.s32 $0x1BF5;
	[smem:$0x3FBC] =	sst s0  }
0x18: {  	s0 =	sld [smem:$0x3F9F];
	_ =	swait.ge [sflag:s4], $0x0  }
0x19: {  	s7 =	sld [smem:$0x3FA0]  }
0x1a: {  	s8 =	sadd.s32 $0xFFFFE003, lr  }
0x1b: {  	s9 =	sadd.s32 $0xFFFFFEF7, lr;
	s5 =	simm.s32 $0xFFFFFFFF;
	p2 =	slt.u32 s8, $0xFFFFF086  }
0x1c: {  	p1 =	slt.u32 s9, $0xF7A;
	s5 =	simm.s32 @!p2 $0x0  }
0x1d: {  	s5 =	simm.s32 @p1 $0x1;
	p0 =	seq.s32 s7, s2  }
0x1e: {  	s7 =	smul.u32 @!p0 $0xF7A, s2;
	p2 =	seq.s32 @!p0 s5, $0x0  }
0x1f: {  	s9 =	smul.u32 $0xF7A, s1;
	s8 =	simm.s32 @!p0 $0x1BF5;
	p2 =	por !p2, p0  }
0x20: {  	[sflag:s8] =	ssyncset.s32 @!p0 $0xFFFFF086;
	s6 =	sadd.s32 @!p0 s3, s7;
	s7 =	simm.s32 @!p0 $0x108  }
0x21: {  	s3 =	sadd.s32 s3, s9;
	s6 =	sadd.s32 @!p0 $0x88, s6;
	s7 =	simm.s32 @p2 $0x1082  }
0x22: {  	[simem:s7], [sflag:s8] =	dma.local @!p0 [hbm:s6], $0xF7A  }
0x23: {  	s9 =	sor.u32 $0xD0000000, s2;
	s6 =	simm.s32 $0x108;
	_ =	swait.ge @!p0 [sflag:s8], $0x0  }
0x24: {  	s3 =	sadd.s32 $0x88, s3;
	s6 =	simm.s32 @!p1 $0x1082;
	[sflag:s4] =	ssyncset.s32 $0xFFFFF086  }
0x25: {  	[simem:s6], [sflag:s4] =	dma.local [hbm:s3], $0xF7A  }
0x26: {  	[smem:$0x3FA0] =	sst s1;
	(tag) =	ssettag s2;
	_ =	strace s9  }
0x27: {  	s1 =	sld [smem:$0x3FB0]  }
0x28: {  	s2 =	sld [smem:$0x3FB1]  }
0x29: {  	s4 =	sld [smem:$0x3FB3]  }
0x2a: {  	p0 =	seq.s32 s5, $0x0;
	s5 =	sld [smem:$0x3FB4]  }
0x2b: {  	s6 =	sld [smem:$0x3FB5]  }
0x2c: {  	s7 =	sld [smem:$0x3FB6]  }
0x2d: {  	s3 =	simm.s32 $0x108;
	s8 =	sld [smem:$0x3FB7]  }
0x2e: {  	s3 =	simm.s32 @!p0 $0x1082;
	s9 =	sld [smem:$0x3FB8]  }
0x2f: {  	lr =	sadd.s32 s0, s3;
	s0 =	sld [smem:$0x3FAF]  }
0x30: {  	s3 =	sld [smem:$0x3FB2]  }
0x31: {  	[smem:$0x3FBB] =	sst s10  }
0x32: {  	s10 =	sld [smem:$0x3FB9];
	_ =	sdelay $0x3  }
0x33: {  	p0 =	seq.s32 s10, $0x1;
	s10 =	sld [smem:$0x3FBB];
	_ =	sdelay $0x3  }
0x34: {  	[smem:$0x3FBB] =	sst s10  }
0x35: {  	s10 =	sld [smem:$0x3FBA];
	_ =	sdelay $0x3  }
0x36: {  	p1 =	seq.s32 s10, $0x1;
	s10 =	sld [smem:$0x3FBB];
	_ =	sdelay $0x3  }
0x37: {  	[smem:$0x3FBB] =	sst s10  }
0x38: {  	s10 =	sld [smem:$0x3FBC]  }
0x39: {  	_ = 	snop;
	(pc) =	sbr.ind lr, $3  }
0x3a: {  	_ = 	snop  }
0x3b: {  	_ = 	snop  }
0x3c: {  	p2 =	seq.s32 s10, $0x1;
	s10 =	sld [smem:$0x3FBB]  }
0x3d: {  	_ =	shalt  }
0x3e: {  	_ =	shalt  }
0x3f: {  	_ =	shalt  }
0x40: {  	_ =	shalt  }
0x41: {  	_ =	shalt  }
0x42: {  	_ =	shalt  }
0x43: {  	_ =	shalt  }
0x44: {  	_ =	shalt  }
0x45: {  	_ =	shalt  }
0x46: {  	_ =	shalt  }
0x47: {  	_ =	shalt  }
0x48: {  	_ =	shalt  }
0x49: {  	_ =	shalt  }
0x4a: {  	_ =	shalt  }
0x4b: {  	_ =	shalt  }
0x4c: {  	_ =	shalt  }
0x4d: {  	_ =	shalt  }
0x4e: {  	_ =	shalt  }
0x4f: {  	_ =	shalt  }
0x50: {  	_ =	shalt  }
0x51: {  	_ =	shalt  }
0x52: {  	_ =	shalt  }
0x53: {  	_ =	shalt  }
0x54: {  	_ =	shalt  }
0x55: {  	_ =	shalt  }
0x56: {  	_ =	shalt  }
0x57: {  	_ =	shalt  }
0x58: {  	_ =	shalt  }
0x59: {  	_ =	shalt  }
0x5a: {  	_ =	shalt  }
0x5b: {  	_ =	shalt  }
0x5c: {  	_ =	shalt  }
0x5d: {  	_ =	shalt  }
0x5e: {  	_ =	shalt  }
0x5f: {  	_ =	shalt  }
0x60: {  	_ =	shalt  }
0x61: {  	_ =	shalt  }
0x62: {  	_ =	shalt  }
0x63: {  	_ =	shalt  }
0x64: {  	_ =	shalt  }
0x65: {  	_ =	shalt  }
0x66: {  	_ =	shalt  }
0x67: {  	_ =	shalt  }
0x68: {  	_ =	shalt  }
0x69: {  	_ =	shalt  }
0x6a: {  	_ =	shalt  }
0x6b: {  	_ =	shalt  }
0x6c: {  	_ =	shalt  }
0x6d: {  	_ =	shalt  }
0x6e: {  	_ =	shalt  }
0x6f: {  	_ =	shalt  }
0x70: {  	_ =	shalt  }
0x71: {  	_ =	shalt  }
0x72: {  	_ =	shalt  }
0x73: {  	_ =	shalt  }
0x74: {  	_ =	shalt  }
0x75: {  	_ =	shalt  }
0x76: {  	_ =	shalt  }
0x77: {  	_ =	shalt  }
0x78: {  	_ =	shalt  }
0x79: {  	_ =	shalt  }
0x7a: {  	_ =	shalt  }
0x7b: {  	_ =	shalt  }
0x7c: {  	_ =	shalt  }
0x7d: {  	_ =	shalt  }
0x7e: {  	_ =	shalt  }
0x7f: {  	_ =	shalt  }
0x80: {  	_ =	shalt  }
0x81: {  	_ =	shalt  }
0x82: {  	_ =	shalt  }
0x83: {  	_ =	shalt  }
0x84: {  	_ =	shalt  }
0x85: {  	_ =	shalt  }
0x86: {  	_ =	shalt  }
0x87: {  	_ =	shalt  }
.Lfunc_end0:
.L_simem_size_0:
called_computation_lowered:
.L_overlay_start_0:
0x88: {  	s2 =	sld [smem:$0x3FD9]  }
0x89: {  	s3 =	sld [smem:$0x3FFE];
	_ =	sdelay $0x1  }
0x8a: {  	s1 =	srdreg.scid  }
0x8b: {  	s0 =	sand.u32 $0x1, s1  }
0x8c: {  	s17 =	sshll.u32 s0, $0xA;
	s2 =	sadd.s32 s3, s2  }
0x8d: {  	s2 =	sadd.s32 s2, s17  }
0x8e: {  	[smem:$0x3FC7] =	sst s2  }
0x8f: {  	_ = 	snop  }
0x90: {  	s2 =	sld [smem:$0x3FC9];
	(tm) =	ssettm $0x1  }
0x91: {  	s18 =	sld [smem:$0x3FFB];
	_ =	sdelay $0x3  }
0x92: {  	_ =	strace s18  }
0x93: {  	s3 =	sld [smem:$0x3FFC];
	_ =	sdelay $0x3  }
0x94: {  	_ =	strace s3  }
0x95: {  	s3 =	sld [smem:$0x3FFD];
	_ =	sdelay $0x3  }
0x96: {  	_ =	strace s3  }
0x97: {  	_ =	strace $0x8FFFFFFF  }
0x98: {  	s19 =	sld [smem:$0x3FDB];
	_ =	sdelay $0x1  }
0x99: {  	s4 =	simm.s32 $_scs_section_size  }
0x9a: {  	s5 =	simm.s32 $_size__tile_overlayer_lowered;
	s6 =	simm.s32 $_tile_overlayer_lowered  }
0x9b: {  	s22 =	simm.s32 $0x1BFF;
	s21 =	sshll.u32 s6, $0x1;
	s3 =	sadd.s32 s4, s19  }
0x9c: {  	s7 =	simm.s32 $0x0;
	s20 =	sshll.u32 s5, $0x1;
	s5 =	sadd.s32 s21, s3  }
0x9d: {  	[timem:s7], [sflag:s22] =	dma.local [hbm:s5], s20  }
0x9e: {  	_ =	swait.ge [sflag:s22], s20  }
0x9f: {  	s4 =	ssub.s32 $0x0, s20;
	[sflag:s22] =	ssyncset.done $0x0  }
0xa0: {  	[sflag:s22] =	ssyncadd.s32 s4;
	_ =	sdelay $0x1  }
0xa1: {  	s23 =	simm.s32 $0x1B8B  }
0xa2: {  	_ =	swait.ge [sflag:s23], $0x1  }
0xa3: {  	[sflag:s23] =	ssyncset.done $0x0  }
0xa4: {  	s25 =	simm.s32 $0x1B8E;
	s24 =	sld [smem:$0x3FFE];
	[sflag:s23] =	ssyncadd.s32 $0xFFFFFFFF  }
0xa5: {  	s26 =	simm.s32 $execute0_lowered;
	[smem:$0x3FD2] =	sst s25  }
0xa6: {  	s5 =	sshll.u32 s26, $0x1;
	_ =	strace $0x80000046;
	[dreg:$0x1] =	wrdreg $0xFFFFFFFF  }
0xa7: {  	s28 =	simm.s32 $_size_execute0_lowered;
	s3 =	sadd.s32 s3, s5;
	[dreg:$0x0] =	wrdreg $0x0  }
0xa8: {  	s5 =	sshll.u32 s28, $0x1;
	[dreg:$0x2] =	wrdreg s3  }
0xa9: {  	[dreg:$0x3] =	wrdreg s5  }
0xaa: {  	[dreg:$0x4] =	wrdreg $0xC0  }
0xab: {  	_ =	task [dreg:s7], $0x5FFFF  }
0xac: {  	[dreg:$0x1] =	wrdreg $0xFFFFFFFF  }
0xad: {  	[dreg:$0x0] =	wrdreg $0x60  }
0xae: {  	[dreg:$0x2] =	wrdreg s2  }
0xaf: {  	[dreg:$0x3] =	wrdreg s24  }
0xb0: {  	[dreg:$0x4] =	wrdreg $0x9  }
0xb1: {  	_ =	task.clear_ibuf [dreg:s7], $0x5FFFF;
	_ =	strace $0x90000046  }
0xb2: {  	s29 =	simm.s32 $0x9;
	_ =	strace $0x80000048  }
0xb3: {  	_ =	swait.ge [sflag:s29], $0x1  }
0xb4: {  	[sflag:s29] =	ssyncadd.s32 $0xFFFFFFFF  }
0xb5: {  	_ =	strace $0x90000048  }
0xb6: {  	_ =	sfence  }
0xb7: {  	s30 =	sld [smem:$0x0];
	_ =	sdelay $0x2  }
0xb8: {  	s31 =	sshll.u32 s1, $0xD;
	s1 =	sshrl.u32 s1, $0x2  }
0xb9: {  	s3 =	sand.u32 $0x4000, s31;
	s1 =	sadd.s32 s1, s30  }
0xba: {  	s0 =	sor.u32 s3, s0;
	s1 =	sshll.u32 s1, $0x11  }
0xbb: {  	s0 =	sor.u32 s1, s0  }
0xbc: {  	s0 =	sadd.s32 $0x8F2B, s0  }
0xbd: {  	[sflag:s0] =	ssyncadd.remote.s32 $0x1  }
0xbe: {  	_ =	sfence.sel $0xFFFF  }
0xbf: {  	[dreg:$0x0] =	wrdreg $0xFFFFFFFF;
	(pc) =	sbr.abs _section_cstart, $3  }
0xc0: {  	[dreg:$0x1] =	wrdreg $0xFFFFFFFF  }
0xc1: {  	_ =	task.clear_ibuf [dreg:s7], $0x2FFFF;
	_ =	strace $0x9FFFFFFF  }
0xc2: {  	(tm) =	ssettm $0x7FFFFFFF  }
0xc3: {  	_ =	shalt  }
tec
execute0_lowered:
.L_overlay_start_1:
0x0: {  	(tag) =	ssettag $0x1  }
0x1: {  	s0 =	rddreg [dreg:$0x0]  }
0x2: {  	s1 =	rddreg [dreg:$0x1]  }
0x3: {  	s3 =	srdreg.scid;
	s2 =	simm.s32 $0x0;
	s4 =	stileid.u32  }
0x4: {  	s21 =	simm.s32 $0x400;
	s22 =	simm.s32 $0x80000;
	s28 =	simm.s32 $0xF000  }
0x5: {  	s29 =	simm.s32 $0x1;
	s30 =	simm.s32 $0x10000;
	s3 =	sand.u32 $0x1, s3  }
0x6: {  	s31 =	simm.s32 $0x2;
	s4 =	sshll.u32 s4, $0x6;
	s5 =	sshll.u32 s3, $0x5  }
0x7: {  	[smem:$0x7FF] =	sst s2;
	s6 =	ssub.s32 $0x2, s3;
	s4 =	sor.u32 s5, s4  }
0x8: {  	_ =	strace $0x80000047;
	s25 =	sshrl.u32 s6, $0x1;
	s5 =	sshll.u32 s4, $0x4  }
0x9: {  	s24 =	sshll.u32 s4, $0xD;
	s26 =	ssub.s32 s6, s25;
	s25 =	simm.s32 $0xD000  }
0xa: {  	s1 =	sadd.s32 s5, s1;
	s3 =	sadd.s32 s0, s24;
	s20 =	smax.u32 s26, $0x1  }
0xb: {  	s26 =	simm.s32 $0xE000;
	s0 =	simm.s32 $0x0;
	s4 =	sadd.s32 $0x800, s3  }
0xc: {  	s5 =	sadd.s32 $0x1000, s3;
	s6 =	sadd.s32 $0x1800, s3;
	s7 =	sadd.s32 $0x2000, s3  }
0xd: {  	s8 =	sadd.s32 $0x2800, s3;
	s9 =	sadd.s32 $0x3000, s3;
	s10 =	sadd.s32 $0x3800, s3  }
0xe: {  	v0 =	vlaneseq.u32;
	s11 =	sadd.s32 $0x4000, s3;
	s12 =	sadd.s32 $0x4800, s3;
	s13 =	sadd.s32 $0x5000, s3  }
0xf: {  	v0 =	vmul.u32 $0x1000, v0;
	s14 =	sadd.s32 $0x5800, s3;
	s15 =	sadd.s32 $0x6000, s3;
	s16 =	sadd.s32 $0x6800, s3  }
0x10: {  	s17 =	sadd.s32 $0x7000, s3;
	s18 =	sadd.s32 $0x7800, s3;
	s19 =	sadd.s32 $0x400, s1  }
.LBB2_1:
0x11: {  	[tilespmem:s2], [sflag:$0x1] =	stream.strided.gather [hbm4b:s3+s21], $0x1000, s22, s21, $0x38;
	[tilespmem:$0x11000] =	vst v63  }
0x12: {  	s1 =	simm.s32 $0x1000  }
0x13: {  	[tilespmem:s1], [sflag:$0x1] =	stream.strided.gather [hbm4b:s4+s21], $0x1000, s22, s21, $0x38;
	[tilespmem:$0x11000] =	vst v63  }
0x14: {  	s24 =	simm.s32 $0x2000  }
0x15: {  	[tilespmem:s24], [sflag:$0x1] =	stream.strided.gather [hbm4b:s5+s21], $0x1000, s22, s21, $0x38;
	[tilespmem:$0x11000] =	vst v63  }
0x16: {  	s23 =	simm.s32 $0x3000  }
0x17: {  	[tilespmem:s23], [sflag:$0x1] =	stream.strided.gather [hbm4b:s6+s21], $0x1000, s22, s21, $0x38;
	[tilespmem:$0x11000] =	vst v63  }
0x18: {  	s24 =	simm.s32 $0x4000  }
0x19: {  	[tilespmem:s24], [sflag:$0x1] =	stream.strided.gather [hbm4b:s7+s21], $0x1000, s22, s21, $0x38;
	[tilespmem:$0x11000] =	vst v63  }
0x1a: {  	s23 =	simm.s32 $0x5000  }
0x1b: {  	[tilespmem:s23], [sflag:$0x1] =	stream.strided.gather [hbm4b:s8+s21], $0x1000, s22, s21, $0x38;
	[tilespmem:$0x11000] =	vst v63  }
0x1c: {  	s24 =	simm.s32 $0x6000  }
0x1d: {  	[tilespmem:s24], [sflag:$0x1] =	stream.strided.gather [hbm4b:s9+s21], $0x1000, s22, s21, $0x38;
	[tilespmem:$0x11000] =	vst v63  }
0x1e: {  	s23 =	simm.s32 $0x7000  }
0x1f: {  	[tilespmem:s23], [sflag:$0x1] =	stream.strided.gather [hbm4b:s10+s21], $0x1000, s22, s21, $0x38;
	[tilespmem:$0x11000] =	vst v63  }
0x20: {  	s24 =	simm.s32 $0x8000  }
0x21: {  	[tilespmem:s24], [sflag:$0x1] =	stream.strided.gather [hbm4b:s11+s21], $0x1000, s22, s21, $0x38;
	[tilespmem:$0x11000] =	vst v63  }
0x22: {  	s23 =	simm.s32 $0x9000  }
0x23: {  	[tilespmem:s23], [sflag:$0x1] =	stream.strided.gather [hbm4b:s12+s21], $0x1000, s22, s21, $0x38;
	[tilespmem:$0x11000] =	vst v63  }
0x24: {  	s24 =	simm.s32 $0xA000  }
0x25: {  	[tilespmem:s24], [sflag:$0x1] =	stream.strided.gather [hbm4b:s13+s21], $0x1000, s22, s21, $0x38;
	[tilespmem:$0x11000] =	vst v63  }
0x26: {  	s23 =	simm.s32 $0xB000  }
0x27: {  	[tilespmem:s23], [sflag:$0x1] =	stream.strided.gather [hbm4b:s14+s21], $0x1000, s22, s21, $0x38;
	[tilespmem:$0x11000] =	vst v63  }
0x28: {  	s24 =	simm.s32 $0xC000  }
0x29: {  	[tilespmem:s24], [sflag:$0x1] =	stream.strided.gather [hbm4b:s15+s21], $0x1000, s22, s21, $0x38;
	[tilespmem:$0x11000] =	vst v63  }
0x2a: {  	_ = 	snop  }
0x2b: {  	[tilespmem:s25], [sflag:$0x1] =	stream.strided.gather [hbm4b:s16+s21], $0x1000, s22, s21, $0x38;
	[tilespmem:$0x11000] =	vst v63  }
0x2c: {  	_ = 	snop  }
0x2d: {  	[tilespmem:s26], [sflag:$0x1] =	stream.strided.gather [hbm4b:s17+s21], $0x1000, s22, s21, $0x38;
	[tilespmem:$0x11000] =	vst v63  }
0x2e: {  	_ = 	snop  }
0x2f: {  	[tilespmem:s28], [sflag:$0x1] =	stream.strided.gather [hbm4b:s18+s21], $0x1000, s22, s21, $0x38;
	[tilespmem:$0x11000] =	vst v63  }
0x30: {  	_ =	swait.ge [sflag:s29], $0x1000  }
0x31: {  	[sflag:s29] =	ssyncset.done $0x0  }
0x32: {  	[sflag:s29] =	ssyncadd.s32 $0xFFFFF000  }
0x33: {  	_ =	swait.ge [sflag:s29], $0x1000  }
0x34: {  	[sflag:s29] =	ssyncset.done $0x0  }
0x35: {  	[sflag:s29] =	ssyncadd.s32 $0xFFFFF000  }
0x36: {  	_ =	swait.ge [sflag:s29], $0x1000  }
0x37: {  	[sflag:s29] =	ssyncset.done $0x0  }
0x38: {  	[sflag:s29] =	ssyncadd.s32 $0xFFFFF000  }
0x39: {  	_ =	swait.ge [sflag:s29], $0x1000  }
0x3a: {  	[sflag:s29] =	ssyncset.done $0x0  }
0x3b: {  	[sflag:s29] =	ssyncadd.s32 $0xFFFFF000  }
0x3c: {  	_ =	swait.ge [sflag:s29], $0x1000  }
0x3d: {  	[sflag:s29] =	ssyncset.done $0x0  }
0x3e: {  	[sflag:s29] =	ssyncadd.s32 $0xFFFFF000  }
0x3f: {  	_ =	swait.ge [sflag:s29], $0x1000  }
0x40: {  	[sflag:s29] =	ssyncset.done $0x0  }
0x41: {  	[sflag:s29] =	ssyncadd.s32 $0xFFFFF000  }
0x42: {  	_ =	swait.ge [sflag:s29], $0x1000  }
0x43: {  	[sflag:s29] =	ssyncset.done $0x0  }
0x44: {  	[sflag:s29] =	ssyncadd.s32 $0xFFFFF000  }
0x45: {  	_ =	swait.ge [sflag:s29], $0x1000  }
0x46: {  	[sflag:s29] =	ssyncset.done $0x0  }
0x47: {  	[sflag:s29] =	ssyncadd.s32 $0xFFFFF000  }
0x48: {  	_ =	swait.ge [sflag:s29], $0x1000  }
0x49: {  	[sflag:s29] =	ssyncset.done $0x0  }
0x4a: {  	[sflag:s29] =	ssyncadd.s32 $0xFFFFF000  }
0x4b: {  	_ =	swait.ge [sflag:s29], $0x1000  }
0x4c: {  	[sflag:s29] =	ssyncset.done $0x0  }
0x4d: {  	[sflag:s29] =	ssyncadd.s32 $0xFFFFF000  }
0x4e: {  	_ =	swait.ge [sflag:s29], $0x1000  }
0x4f: {  	[sflag:s29] =	ssyncset.done $0x0  }
0x50: {  	[sflag:s29] =	ssyncadd.s32 $0xFFFFF000  }
0x51: {  	_ =	swait.ge [sflag:s29], $0x1000  }
0x52: {  	[sflag:s29] =	ssyncset.done $0x0  }
0x53: {  	[sflag:s29] =	ssyncadd.s32 $0xFFFFF000  }
0x54: {  	_ =	swait.ge [sflag:s29], $0x1000  }
0x55: {  	[sflag:s29] =	ssyncset.done $0x0  }
0x56: {  	[sflag:s29] =	ssyncadd.s32 $0xFFFFF000  }
0x57: {  	_ =	swait.ge [sflag:s29], $0x1000  }
0x58: {  	[sflag:s29] =	ssyncset.done $0x0  }
0x59: {  	[sflag:s29] =	ssyncadd.s32 $0xFFFFF000  }
0x5a: {  	s23 =	simm.s32 $0x0;
	_ =	swait.ge [sflag:s29], $0x1000  }
0x5b: {  	v1 =	vor.u32 s23, v0;
	[sflag:s29] =	ssyncset.done $0x0  }
0x5c: {  	[sflag:s29] =	ssyncadd.s32 $0xFFFFF000  }
0x5d: {  	_ =	swait.ge [sflag:s29], $0x1000  }
0x5e: {  	[sflag:s29] =	ssyncset.done $0x0  }
0x5f: {  	[sflag:s29] =	ssyncadd.s32 $0xFFFFF000  }
0x60: {  	s24 =	simm.s32 $0x80;
	v1 =	vld.idx.msk [tilespmem:v1+s2+$0x0], $0xffff  }
0x61: {  	v2 =	vor.u32 s24, v0;
	_ =	sdelay $0x3  }
0x62: {  	[tilespmem:s30+$0x0] =	vst v1  }
0x63: {  	s1 =	simm.s32 $0x10000;
	s23 =	simm.s32 $0x3;
	s24 =	simm.s32 $0x100;
	v1 =	vld.idx.msk [tilespmem:v2+s2+$0x0], $0xffff  }
.LBB2_2:
0x64: {  	p0 =	sne.s32 s23, $0x1F;
	v2 =	vor.u32 s24, v0;
	_ =	sdelay $0x1  }
.Ltmp0:
0x65: {  	(pc) =	sbr.rel @p0 .LBB2_2-.Ltmp0, $4  }
0x66: {  	s1 =	sadd.s32 $0x80, s1  }
0x67: {  	[tilespmem:s1+$0x0] =	vst v1  }
0x68: {  	v1 =	vld.idx.msk [tilespmem:v2+s2+$0x0], $0xffff  }
0x69: {  	s24 =	sshll.u32 s23, $0x7;
	s23 =	sadd.s32 $0x1, s23  }
0x6a: {  	v2 =	vor.u32 s24, v0;
	_ =	sdelay $0x2  }
0x6b: {  	s1 =	sadd.s32 $0x80, s1  }
0x6c: {  	[tilespmem:s1+$0x0] =	vst v1  }
0x6d: {  	v1 =	vld.idx.msk [tilespmem:v2+s2+$0x0], $0xffff;
	_ =	sdelay $0x2  }
0x6e: {  	s0 =	sadd.s32 $0x1, s0  }
0x6f: {  	p0 =	sne.s32 s0, s20;
	s1 =	sadd.s32 $0x80, s1  }
.Ltmp1:
0x70: {  	[tilespmem:s1+$0x0] =	vst v1;
	(pc) =	sbr.rel @p0 .LBB2_1-.Ltmp1, $4  }
0x71: {  	[hbm4b:s19+s2] =	stream.linear.scatter [tilespmem:s30], [sflag:$0x2], $0x1000, $0x38;
	[tilespmem:$0x11000] =	vst v63  }
0x72: {  	_ =	swait.ge [sflag:s31], $0x1000  }
0x73: {  	[sflag:s31] =	ssyncset.done $0x0  }
0x74: {  	[sflag:s31] =	ssyncadd.s32 $0xFFFFF000  }
0x75: {  	_ =	sfence.sel $0x180000  }
0x76: {  	[bflag:$0x0] =	sbarrier.arrive $0xFFFF  }
0x77: {  	_ =	strace $0x90000047  }
0x78: {  	s0 =	stileid.u32;
	[bflag:$0x2] =	sbarrier.arrive $0xFFFF  }
0x79: {  	p0 =	sne.s32 s0, $0x0;
	s0 =	rddreg [dreg:$0x2]  }
0x7a: {  	s0 =	sadd.s32 @!p0 $0x100000, s0  }
0x7b: {  	[sflag:s0] =	ssyncadd.tile.s32 @!p0 $0x1;
	_ =	shalt  }
.Lfunc_end2:
_tile_overlayer_lowered:
.L_overlay_start_2:
0x7c: {  	(tag) =	ssettag $0x2  }
0x7d: {  	s0 =	rddreg [dreg:$0x0];
	s2 =	stileid.u32  }
0x7e: {  	s1 =	rddreg [dreg:$0x1];
	p0 =	sne.s32 s2, $0x0  }
0x7f: {  	s3 =	rddreg [dreg:$0x2];
	[bflag:$0x3] =	sbarrier.arrive $0xFFFF;
	s2 =	simm.s32 @!p0 $0x1C02  }
0x80: {  	[timem:s3], [sflag:s2] =	dma.local @!p0 [hbm:s0], s1  }
0x81: {  	s0 =	simm.s32 @!p0 $0x2  }
0x82: {  	_ =	swait.ge @!p0 [sflag:s0], s1  }
0x83: {  	s1 =	ssub.s32 @!p0 $0x0, s1;
	[sflag:s0] =	ssyncset.done @!p0 $0x0  }
0x84: {  	[sflag:s0] =	ssyncadd.s32 @!p0 s1  }
0x85: {  	[bflag:$0x3] =	sbarrier.arrive $0xFFFF  }
0x86: {  	_ =	shalt  }

</sc_bundles>
